<compile_context>
chip_gen: v7x
topology: tpu7x:2x2x1
jax: 0.10.2.dev20260603
libtpu: 0.0.44.dev20260713+nightly
codegen_flags: <defaults>
</compile_context>

<pallas_src>
import functools

import jax
import jax.numpy as jnp
from jax import lax
from jax.experimental import pallas as pl
from jax.experimental.pallas import tpu as pltpu
from jax.experimental.pallas import tpu_sc as plsc


def _sc_gather(ids_t, table, *, num_workers):
    n_rows, n_tok = ids_t.shape
    dim = table.shape[1]
    chunk = n_tok // num_workers
    sub = chunk // 128
    mesh = plsc.VectorSubcoreMesh(core_axis_name="c", subcore_axis_name="s")

    @functools.partial(
        pl.kernel,
        out_type=jax.ShapeDtypeStruct(
            (n_rows, num_workers, 128, sub * dim), jnp.float32
        ),
        mesh=mesh,
        scratch_types=[
            pltpu.VMEM((n_rows, chunk), jnp.int32),
            [
                [pltpu.VMEM((128, dim), jnp.float32) for _ in range(4)]
                for _ in range(2)
            ],
            [pltpu.SemaphoreType.DMA for _ in range(2)],
            [pltpu.SemaphoreType.DMA for _ in range(2)],
        ],
        compiler_params=pltpu.CompilerParams(use_tc_tiling_on_sc=False),
    )
    def k(ids_hbm, table_hbm, out_hbm, idx_v, bufs, g_sems, w_sems):
        wid = lax.axis_index("s") * 2 + lax.axis_index("c")
        base = wid * chunk
        pltpu.sync_copy(ids_hbm.at[:, pl.ds(base, chunk)], idx_v)

        def start_gathers(j, b):
            descs = []
            for p in range(sub):
                descs.append(
                    pltpu.async_copy(
                        table_hbm.at[idx_v.at[j, pl.ds(p * 128, 128)]],
                        bufs[b][p],
                        g_sems[b],
                    )
                )
            return descs

        def write_out(j, b):
            descs = []
            for p in range(sub):
                descs.append(
                    pltpu.async_copy(
                        bufs[b][p],
                        out_hbm.at[j, wid, :, pl.ds(p * dim, dim)],
                        w_sems[b],
                    )
                )
            return descs

        def body(g, _):
            j0 = g * 2
            j1 = j0 + 1
            gd0 = start_gathers(j0, 0)
            gd1 = start_gathers(j1, 1)
            for d in gd0:
                d.wait()
            wd0 = write_out(j0, 0)
            for d in gd1:
                d.wait()
            wd1 = write_out(j1, 1)
            for d in wd0 + wd1:
                d.wait()
            return 0

        lax.fori_loop(0, n_rows // 2, body, 0)

    return k(ids_t, table)


def _tc_transpose(mid):
    n_rows, num_workers, r128, sd = mid.shape
    dim = 32
    sub = sd // dim
    chunk = sub * r128
    n_tok = num_workers * chunk

    wblk = 32

    def body(x_ref, y_ref):
        for u in range(wblk):
            xt = x_ref[0, u].T
            for p in range(sub):
                y_ref[0, :, pl.ds(u * chunk + p * 128, 128)] = (
                    xt[p * dim:(p + 1) * dim, :]
                )

    return pl.pallas_call(
        body,
        grid=(n_rows, num_workers // wblk),
        in_specs=[
            pl.BlockSpec((1, wblk, r128, sd), lambda j, w: (j, w, 0, 0)),
        ],
        out_specs=pl.BlockSpec(
            (1, dim, wblk * chunk), lambda j, w: (j, 0, w)
        ),
        out_shape=jax.ShapeDtypeStruct((n_rows, dim, n_tok), jnp.float32),
    )(mid)


def kernel(token_ids, table):
    ids_t = token_ids.T.astype(jnp.int32)
    mid = _sc_gather(ids_t, table, num_workers=32)
    out_t = _tc_transpose(mid)
    return out_t.transpose(2, 0, 1)

# --- scband reference (transcript-rebuilt; emitter-appended) ---
"""Pipeline reference for scband-embedding-59253368815771 (READ-ONLY COPY).

The authoritative reference and input builder live on the scoring server;
editing this copy changes nothing except your own understanding.
"""

import jax, jax.numpy as jnp
import numpy as np

NUM_EMBEDDINGS = 1000000
EMBEDDING_DIM = 32

def setup_inputs(seed: int = 0) -> dict:
    key = jax.random.key(seed)
    k1, k2 = jax.random.split(key)
    token_ids = jax.random.randint(k1, (16384, 50), 0, NUM_EMBEDDINGS, dtype=jnp.int64 if jax.config.jax_enable_x64 else jnp.int32)
    table = jax.random.normal(k2, (NUM_EMBEDDINGS, EMBEDDING_DIM), dtype=jnp.float32)
    return {"token_ids": token_ids, "table": table}

def reference(token_ids, table):
    # Embedding lookup: gather rows of the embedding table by token id.
    return jnp.take(table, token_ids, axis=0)

if __name__ == "__main__":
    import jax
    _d = setup_inputs()
    print(jax.jit(kernel)(*tuple(_d.values())))

</pallas_src>

<mosaic_0001>
#map = affine_map<(d0, d1) -> (0, 0)>
#map1 = affine_map<(d0, d1) -> (0, 0, 0, 0)>
module attributes {stable_mosaic.version = 14 : i64} {
  func.func @k(%arg0: i32, %arg1: i32, %arg2: memref<50x16384xi32, #tpu.memory_space<hbm>>, %arg3: memref<1000000x32xf32, #tpu.memory_space<hbm>>, %arg4: memref<50x32x128x128xf32, #tpu.memory_space<hbm>>, %arg5: memref<50x512xi32, #tpu.memory_space<vmem>>, %arg6: memref<128x32xf32, #tpu.memory_space<vmem>>, %arg7: memref<128x32xf32, #tpu.memory_space<vmem>>, %arg8: memref<128x32xf32, #tpu.memory_space<vmem>>, %arg9: memref<128x32xf32, #tpu.memory_space<vmem>>, %arg10: memref<128x32xf32, #tpu.memory_space<vmem>>, %arg11: memref<128x32xf32, #tpu.memory_space<vmem>>, %arg12: memref<128x32xf32, #tpu.memory_space<vmem>>, %arg13: memref<128x32xf32, #tpu.memory_space<vmem>>, %arg14: memref<!tpu.dma_semaphore, #tpu.memory_space<semaphore_mem>>, %arg15: memref<!tpu.dma_semaphore, #tpu.memory_space<semaphore_mem>>, %arg16: memref<!tpu.dma_semaphore, #tpu.memory_space<semaphore_mem>>, %arg17: memref<!tpu.dma_semaphore, #tpu.memory_space<semaphore_mem>>) attributes {dimension_semantics = [#tpu.dimension_semantics<core_parallel>, #tpu.dimension_semantics<subcore_parallel>], iteration_bounds = array<i64: 2, 16>, scalar_prefetch = 0 : i64, scratch_operands = 13 : i64, tpu.core_type = #tpu.core_type<sc_vector_subcore>, window_params = [{transform_indices = #map}, {transform_indices = #map}, {transform_indices = #map1}]} {
    %mul3A = arith.constant 2 : i32
    %mul3A_0 = arith.muli %arg1, %mul3A : i32
    %add3A = arith.addi %mul3A_0, %arg0 : i32
    %mul3A_1 = arith.constant 512 : i32
    %mul3A_2 = arith.muli %add3A, %mul3A_1 : i32
    "tpu.region"() ({
      %run_scoped3A = tpu.sem_alloc : memref<!tpu.dma_semaphore, #tpu.memory_space<semaphore_mem>>
      %dma_start3A = arith.constant 0 : i32
      %dma_start3A_9 = tpu.memref_slice %arg2[%dma_start3A, %mul3A_2] : memref<50x16384xi32, #tpu.memory_space<hbm>> -> memref<50x512xi32, #tpu.memory_space<hbm>>
      %dma_start3A_10 = arith.constant 0 : i32
      %dma_start3A_11 = tpu.memref_slice %arg2[%dma_start3A_10, %mul3A_2] : memref<50x16384xi32, #tpu.memory_space<hbm>> -> memref<50x512xi32, #tpu.memory_space<hbm>>
      tpu.enqueue_dma source(%dma_start3A_11 : memref<50x512xi32, #tpu.memory_space<hbm>>) target(%arg5 : memref<50x512xi32, #tpu.memory_space<vmem>>) target_semaphore(%run_scoped3A : memref<!tpu.dma_semaphore, #tpu.memory_space<semaphore_mem>>)
      %dma_wait3A = arith.constant 0 : i32
      %dma_wait3A_12 = tpu.memref_slice %arg2[%dma_wait3A, %mul3A_2] : memref<50x16384xi32, #tpu.memory_space<hbm>> -> memref<50x512xi32, #tpu.memory_space<hbm>>
      %dma_wait3A_13 = arith.constant 0 : i32
      %dma_wait3A_14 = tpu.memref_slice %arg2[%dma_wait3A_13, %mul3A_2] : memref<50x16384xi32, #tpu.memory_space<hbm>> -> memref<50x512xi32, #tpu.memory_space<hbm>>
      tpu.wait_dma2 semaphore(%run_scoped3A : memref<!tpu.dma_semaphore, #tpu.memory_space<semaphore_mem>>) src(%dma_wait3A_14 : memref<50x512xi32, #tpu.memory_space<hbm>>) dst(%arg5 : memref<50x512xi32, #tpu.memory_space<vmem>>)
      tpu.yield
    }) : () -> ()
    %scan3A = arith.constant 0 : i32
    %scan3A_3 = arith.constant 0 : i32
    %scan3A_4 = arith.constant 25 : i32
    %scan3A_5 = arith.addi %scan3A_3, %scan3A_4 : i32
    %scan3A_6 = arith.constant 1 : i32
    %scan3A_7 = scf.for %scan3A_9 = %scan3A_3 to %scan3A_5 step %scan3A_6 iter_args(%scan3A_10 = %scan3A) -> (i32)  : i32 {
      %mul3A_11 = arith.constant 2 : i32
      %mul3A_12 = arith.muli %scan3A_9, %mul3A_11 : i32
      %add3A_13 = arith.constant 1 : i32
      %add3A_14 = arith.addi %mul3A_12, %add3A_13 : i32
      %dma_start3A = arith.constant 0 : i32
      %dma_start3A_15 = tpu.memref_slice %arg5[%mul3A_12, %dma_start3A] : memref<50x512xi32, #tpu.memory_space<vmem>> -> memref<1x128xi32, #tpu.memory_space<vmem>>
      %dma_start3A_16 = tpu.memref_squeeze %dma_start3A_15 : memref<1x128xi32, #tpu.memory_space<vmem>> -> memref<128xi32, #tpu.memory_space<vmem>>
      %dma_start3A_17 = arith.constant 0 : i32
      %dma_start3A_18 = arith.constant 0 : i32
      %dma_start3A_19 = tpu.memref_slice %arg3[%dma_start3A_17, %dma_start3A_18] : memref<1000000x32xf32, #tpu.memory_space<hbm>> -> memref<1000000x32xf32, #tpu.memory_space<hbm>>
      tpu.enqueue_indirect_dma source(%dma_start3A_19 : memref<1000000x32xf32, #tpu.memory_space<hbm>>) target(%arg6 : memref<128x32xf32, #tpu.memory_space<vmem>>) offsets(%dma_start3A_16 : memref<128xi32, #tpu.memory_space<vmem>>) semaphore(%arg14 : memref<!tpu.dma_semaphore, #tpu.memory_space<semaphore_mem>>)
      %dma_start3A_20 = arith.constant 128 : i32
      %dma_start3A_21 = tpu.memref_slice %arg5[%mul3A_12, %dma_start3A_20] : memref<50x512xi32, #tpu.memory_space<vmem>> -> memref<1x128xi32, #tpu.memory_space<vmem>>
      %dma_start3A_22 = tpu.memref_squeeze %dma_start3A_21 : memref<1x128xi32, #tpu.memory_space<vmem>> -> memref<128xi32, #tpu.memory_space<vmem>>
      %dma_start3A_23 = arith.constant 0 : i32
      %dma_start3A_24 = arith.constant 0 : i32
      %dma_start3A_25 = tpu.memref_slice %arg3[%dma_start3A_23, %dma_start3A_24] : memref<1000000x32xf32, #tpu.memory_space<hbm>> -> memref<1000000x32xf32, #tpu.memory_space<hbm>>
      tpu.enqueue_indirect_dma source(%dma_start3A_25 : memref<1000000x32xf32, #tpu.memory_space<hbm>>) target(%arg7 : memref<128x32xf32, #tpu.memory_space<vmem>>) offsets(%dma_start3A_22 : memref<128xi32, #tpu.memory_space<vmem>>) semaphore(%arg14 : memref<!tpu.dma_semaphore, #tpu.memory_space<semaphore_mem>>)
      %dma_start3A_26 = arith.constant 256 : i32
      %dma_start3A_27 = tpu.memref_slice %arg5[%mul3A_12, %dma_start3A_26] : memref<50x512xi32, #tpu.memory_space<vmem>> -> memref<1x128xi32, #tpu.memory_space<vmem>>
      %dma_start3A_28 = tpu.memref_squeeze %dma_start3A_27 : memref<1x128xi32, #tpu.memory_space<vmem>> -> memref<128xi32, #tpu.memory_space<vmem>>
      %dma_start3A_29 = arith.constant 0 : i32
      %dma_start3A_30 = arith.constant 0 : i32
      %dma_start3A_31 = tpu.memref_slice %arg3[%dma_start3A_29, %dma_start3A_30] : memref<1000000x32xf32, #tpu.memory_space<hbm>> -> memref<1000000x32xf32, #tpu.memory_space<hbm>>
      tpu.enqueue_indirect_dma source(%dma_start3A_31 : memref<1000000x32xf32, #tpu.memory_space<hbm>>) target(%arg8 : memref<128x32xf32, #tpu.memory_space<vmem>>) offsets(%dma_start3A_28 : memref<128xi32, #tpu.memory_space<vmem>>) semaphore(%arg14 : memref<!tpu.dma_semaphore, #tpu.memory_space<semaphore_mem>>)
      %dma_start3A_32 = arith.constant 384 : i32
      %dma_start3A_33 = tpu.memref_slice %arg5[%mul3A_12, %dma_start3A_32] : memref<50x512xi32, #tpu.memory_space<vmem>> -> memref<1x128xi32, #tpu.memory_space<vmem>>
      %dma_start3A_34 = tpu.memref_squeeze %dma_start3A_33 : memref<1x128xi32, #tpu.memory_space<vmem>> -> memref<128xi32, #tpu.memory_space<vmem>>
      %dma_start3A_35 = arith.constant 0 : i32
      %dma_start3A_36 = arith.constant 0 : i32
      %dma_start3A_37 = tpu.memref_slice %arg3[%dma_start3A_35, %dma_start3A_36] : memref<1000000x32xf32, #tpu.memory_space<hbm>> -> memref<1000000x32xf32, #tpu.memory_space<hbm>>
      tpu.enqueue_indirect_dma source(%dma_start3A_37 : memref<1000000x32xf32, #tpu.memory_space<hbm>>) target(%arg9 : memref<128x32xf32, #tpu.memory_space<vmem>>) offsets(%dma_start3A_34 : memref<128xi32, #tpu.memory_space<vmem>>) semaphore(%arg14 : memref<!tpu.dma_semaphore, #tpu.memory_space<semaphore_mem>>)
      %dma_start3A_38 = arith.constant 0 : i32
      %dma_start3A_39 = tpu.memref_slice %arg5[%add3A_14, %dma_start3A_38] : memref<50x512xi32, #tpu.memory_space<vmem>> -> memref<1x128xi32, #tpu.memory_space<vmem>>
      %dma_start3A_40 = tpu.memref_squeeze %dma_start3A_39 : memref<1x128xi32, #tpu.memory_space<vmem>> -> memref<128xi32, #tpu.memory_space<vmem>>
      %dma_start3A_41 = arith.constant 0 : i32
      %dma_start3A_42 = arith.constant 0 : i32
      %dma_start3A_43 = tpu.memref_slice %arg3[%dma_start3A_41, %dma_start3A_42] : memref<1000000x32xf32, #tpu.memory_space<hbm>> -> memref<1000000x32xf32, #tpu.memory_space<hbm>>
      tpu.enqueue_indirect_dma source(%dma_start3A_43 : memref<1000000x32xf32, #tpu.memory_space<hbm>>) target(%arg10 : memref<128x32xf32, #tpu.memory_space<vmem>>) offsets(%dma_start3A_40 : memref<128xi32, #tpu.memory_space<vmem>>) semaphore(%arg15 : memref<!tpu.dma_semaphore, #tpu.memory_space<semaphore_mem>>)
      %dma_start3A_44 = arith.constant 128 : i32
      %dma_start3A_45 = tpu.memref_slice %arg5[%add3A_14, %dma_start3A_44] : memref<50x512xi32, #tpu.memory_space<vmem>> -> memref<1x128xi32, #tpu.memory_space<vmem>>
      %dma_start3A_46 = tpu.memref_squeeze %dma_start3A_45 : memref<1x128xi32, #tpu.memory_space<vmem>> -> memref<128xi32, #tpu.memory_space<vmem>>
      %dma_start3A_47 = arith.constant 0 : i32
      %dma_start3A_48 = arith.constant 0 : i32
      %dma_start3A_49 = tpu.memref_slice %arg3[%dma_start3A_47, %dma_start3A_48] : memref<1000000x32xf32, #tpu.memory_space<hbm>> -> memref<1000000x32xf32, #tpu.memory_space<hbm>>
      tpu.enqueue_indirect_dma source(%dma_start3A_49 : memref<1000000x32xf32, #tpu.memory_space<hbm>>) target(%arg11 : memref<128x32xf32, #tpu.memory_space<vmem>>) offsets(%dma_start3A_46 : memref<128xi32, #tpu.memory_space<vmem>>) semaphore(%arg15 : memref<!tpu.dma_semaphore, #tpu.memory_space<semaphore_mem>>)
      %dma_start3A_50 = arith.constant 256 : i32
      %dma_start3A_51 = tpu.memref_slice %arg5[%add3A_14, %dma_start3A_50] : memref<50x512xi32, #tpu.memory_space<vmem>> -> memref<1x128xi32, #tpu.memory_space<vmem>>
      %dma_start3A_52 = tpu.memref_squeeze %dma_start3A_51 : memref<1x128xi32, #tpu.memory_space<vmem>> -> memref<128xi32, #tpu.memory_space<vmem>>
      %dma_start3A_53 = arith.constant 0 : i32
      %dma_start3A_54 = arith.constant 0 : i32
      %dma_start3A_55 = tpu.memref_slice %arg3[%dma_start3A_53, %dma_start3A_54] : memref<1000000x32xf32, #tpu.memory_space<hbm>> -> memref<1000000x32xf32, #tpu.memory_space<hbm>>
      tpu.enqueue_indirect_dma source(%dma_start3A_55 : memref<1000000x32xf32, #tpu.memory_space<hbm>>) target(%arg12 : memref<128x32xf32, #tpu.memory_space<vmem>>) offsets(%dma_start3A_52 : memref<128xi32, #tpu.memory_space<vmem>>) semaphore(%arg15 : memref<!tpu.dma_semaphore, #tpu.memory_space<semaphore_mem>>)
      %dma_start3A_56 = arith.constant 384 : i32
      %dma_start3A_57 = tpu.memref_slice %arg5[%add3A_14, %dma_start3A_56] : memref<50x512xi32, #tpu.memory_space<vmem>> -> memref<1x128xi32, #tpu.memory_space<vmem>>
      %dma_start3A_58 = tpu.memref_squeeze %dma_start3A_57 : memref<1x128xi32, #tpu.memory_space<vmem>> -> memref<128xi32, #tpu.memory_space<vmem>>
      %dma_start3A_59 = arith.constant 0 : i32
      %dma_start3A_60 = arith.constant 0 : i32
      %dma_start3A_61 = tpu.memref_slice %arg3[%dma_start3A_59, %dma_start3A_60] : memref<1000000x32xf32, #tpu.memory_space<hbm>> -> memref<1000000x32xf32, #tpu.memory_space<hbm>>
      tpu.enqueue_indirect_dma source(%dma_start3A_61 : memref<1000000x32xf32, #tpu.memory_space<hbm>>) target(%arg13 : memref<128x32xf32, #tpu.memory_space<vmem>>) offsets(%dma_start3A_58 : memref<128xi32, #tpu.memory_space<vmem>>) semaphore(%arg15 : memref<!tpu.dma_semaphore, #tpu.memory_space<semaphore_mem>>)
      %dma_wait3A = arith.constant 0 : i32
      %dma_wait3A_62 = tpu.memref_slice %arg5[%mul3A_12, %dma_wait3A] : memref<50x512xi32, #tpu.memory_space<vmem>> -> memref<1x128xi32, #tpu.memory_space<vmem>>
      %dma_wait3A_63 = tpu.memref_squeeze %dma_wait3A_62 : memref<1x128xi32, #tpu.memory_space<vmem>> -> memref<128xi32, #tpu.memory_space<vmem>>
      %dma_wait3A_64 = arith.constant 0 : i32
      %dma_wait3A_65 = arith.constant 0 : i32
      %dma_wait3A_66 = tpu.memref_slice %arg3[%dma_wait3A_64, %dma_wait3A_65] : memref<1000000x32xf32, #tpu.memory_space<hbm>> -> memref<1000000x32xf32, #tpu.memory_space<hbm>>
      tpu.wait_indirect_dma semaphore(%arg14 : memref<!tpu.dma_semaphore, #tpu.memory_space<semaphore_mem>>) src(%dma_wait3A_66 : memref<1000000x32xf32, #tpu.memory_space<hbm>>) dst(%arg6 : memref<128x32xf32, #tpu.memory_space<vmem>>)
      %dma_wait3A_67 = arith.constant 128 : i32
      %dma_wait3A_68 = tpu.memref_slice %arg5[%mul3A_12, %dma_wait3A_67] : memref<50x512xi32, #tpu.memory_space<vmem>> -> memref<1x128xi32, #tpu.memory_space<vmem>>
      %dma_wait3A_69 = tpu.memref_squeeze %dma_wait3A_68 : memref<1x128xi32, #tpu.memory_space<vmem>> -> memref<128xi32, #tpu.memory_space<vmem>>
      %dma_wait3A_70 = arith.constant 0 : i32
      %dma_wait3A_71 = arith.constant 0 : i32
      %dma_wait3A_72 = tpu.memref_slice %arg3[%dma_wait3A_70, %dma_wait3A_71] : memref<1000000x32xf32, #tpu.memory_space<hbm>> -> memref<1000000x32xf32, #tpu.memory_space<hbm>>
      tpu.wait_indirect_dma semaphore(%arg14 : memref<!tpu.dma_semaphore, #tpu.memory_space<semaphore_mem>>) src(%dma_wait3A_72 : memref<1000000x32xf32, #tpu.memory_space<hbm>>) dst(%arg7 : memref<128x32xf32, #tpu.memory_space<vmem>>)
      %dma_wait3A_73 = arith.constant 256 : i32
      %dma_wait3A_74 = tpu.memref_slice %arg5[%mul3A_12, %dma_wait3A_73] : memref<50x512xi32, #tpu.memory_space<vmem>> -> memref<1x128xi32, #tpu.memory_space<vmem>>
      %dma_wait3A_75 = tpu.memref_squeeze %dma_wait3A_74 : memref<1x128xi32, #tpu.memory_space<vmem>> -> memref<128xi32, #tpu.memory_space<vmem>>
      %dma_wait3A_76 = arith.constant 0 : i32
      %dma_wait3A_77 = arith.constant 0 : i32
      %dma_wait3A_78 = tpu.memref_slice %arg3[%dma_wait3A_76, %dma_wait3A_77] : memref<1000000x32xf32, #tpu.memory_space<hbm>> -> memref<1000000x32xf32, #tpu.memory_space<hbm>>
      tpu.wait_indirect_dma semaphore(%arg14 : memref<!tpu.dma_semaphore, #tpu.memory_space<semaphore_mem>>) src(%dma_wait3A_78 : memref<1000000x32xf32, #tpu.memory_space<hbm>>) dst(%arg8 : memref<128x32xf32, #tpu.memory_space<vmem>>)
      %dma_wait3A_79 = arith.constant 384 : i32
      %dma_wait3A_80 = tpu.memref_slice %arg5[%mul3A_12, %dma_wait3A_79] : memref<50x512xi32, #tpu.memory_space<vmem>> -> memref<1x128xi32, #tpu.memory_space<vmem>>
      %dma_wait3A_81 = tpu.memref_squeeze %dma_wait3A_80 : memref<1x128xi32, #tpu.memory_space<vmem>> -> memref<128xi32, #tpu.memory_space<vmem>>
      %dma_wait3A_82 = arith.constant 0 : i32
      %dma_wait3A_83 = arith.constant 0 : i32
      %dma_wait3A_84 = tpu.memref_slice %arg3[%dma_wait3A_82, %dma_wait3A_83] : memref<1000000x32xf32, #tpu.memory_space<hbm>> -> memref<1000000x32xf32, #tpu.memory_space<hbm>>
      tpu.wait_indirect_dma semaphore(%arg14 : memref<!tpu.dma_semaphore, #tpu.memory_space<semaphore_mem>>) src(%dma_wait3A_84 : memref<1000000x32xf32, #tpu.memory_space<hbm>>) dst(%arg9 : memref<128x32xf32, #tpu.memory_space<vmem>>)
      %dma_start3A_85 = arith.constant 0 : i32
      %dma_start3A_86 = arith.constant 0 : i32
      %dma_start3A_87 = tpu.memref_slice %arg4[%mul3A_12, %add3A, %dma_start3A_85, %dma_start3A_86] : memref<50x32x128x128xf32, #tpu.memory_space<hbm>> -> memref<1x1x128x32xf32, #tpu.memory_space<hbm>>
      %dma_start3A_88 = tpu.memref_squeeze %dma_start3A_87 : memref<1x1x128x32xf32, #tpu.memory_space<hbm>> -> memref<128x32xf32, #tpu.memory_space<hbm>>
      %dma_start3A_89 = arith.constant 0 : i32
      %dma_start3A_90 = arith.constant 0 : i32
      %dma_start3A_91 = tpu.memref_slice %arg4[%mul3A_12, %add3A, %dma_start3A_89, %dma_start3A_90] : memref<50x32x128x128xf32, #tpu.memory_space<hbm>> -> memref<1x1x128x32xf32, #tpu.memory_space<hbm>>
      %dma_start3A_92 = tpu.memref_squeeze %dma_start3A_91 : memref<1x1x128x32xf32, #tpu.memory_space<hbm>> -> memref<128x32xf32, #tpu.memory_space<hbm>>
      tpu.enqueue_dma source(%arg6 : memref<128x32xf32, #tpu.memory_space<vmem>>) target(%dma_start3A_92 : memref<128x32xf32, #tpu.memory_space<hbm>>) target_semaphore(%arg16 : memref<!tpu.dma_semaphore, #tpu.memory_space<semaphore_mem>>)
      %dma_start3A_93 = arith.constant 0 : i32
      %dma_start3A_94 = arith.constant 32 : i32
      %dma_start3A_95 = tpu.memref_slice %arg4[%mul3A_12, %add3A, %dma_start3A_93, %dma_start3A_94] : memref<50x32x128x128xf32, #tpu.memory_space<hbm>> -> memref<1x1x128x32xf32, #tpu.memory_space<hbm>>
      %dma_start3A_96 = tpu.memref_squeeze %dma_start3A_95 : memref<1x1x128x32xf32, #tpu.memory_space<hbm>> -> memref<128x32xf32, #tpu.memory_space<hbm>>
      %dma_start3A_97 = arith.constant 0 : i32
      %dma_start3A_98 = arith.constant 32 : i32
      %dma_start3A_99 = tpu.memref_slice %arg4[%mul3A_12, %add3A, %dma_start3A_97, %dma_start3A_98] : memref<50x32x128x128xf32, #tpu.memory_space<hbm>> -> memref<1x1x128x32xf32, #tpu.memory_space<hbm>>
      %dma_start3A_100 = tpu.memref_squeeze %dma_start3A_99 : memref<1x1x128x32xf32, #tpu.memory_space<hbm>> -> memref<128x32xf32, #tpu.memory_space<hbm>>
      tpu.enqueue_dma source(%arg7 : memref<128x32xf32, #tpu.memory_space<vmem>>) target(%dma_start3A_100 : memref<128x32xf32, #tpu.memory_space<hbm>>) target_semaphore(%arg16 : memref<!tpu.dma_semaphore, #tpu.memory_space<semaphore_mem>>)
      %dma_start3A_101 = arith.constant 0 : i32
      %dma_start3A_102 = arith.constant 64 : i32
      %dma_start3A_103 = tpu.memref_slice %arg4[%mul3A_12, %add3A, %dma_start3A_101, %dma_start3A_102] : memref<50x32x128x128xf32, #tpu.memory_space<hbm>> -> memref<1x1x128x32xf32, #tpu.memory_space<hbm>>
      %dma_start3A_104 = tpu.memref_squeeze %dma_start3A_103 : memref<1x1x128x32xf32, #tpu.memory_space<hbm>> -> memref<128x32xf32, #tpu.memory_space<hbm>>
      %dma_start3A_105 = arith.constant 0 : i32
      %dma_start3A_106 = arith.constant 64 : i32
      %dma_start3A_107 = tpu.memref_slice %arg4[%mul3A_12, %add3A, %dma_start3A_105, %dma_start3A_106] : memref<50x32x128x128xf32, #tpu.memory_space<hbm>> -> memref<1x1x128x32xf32, #tpu.memory_space<hbm>>
      %dma_start3A_108 = tpu.memref_squeeze %dma_start3A_107 : memref<1x1x128x32xf32, #tpu.memory_space<hbm>> -> memref<128x32xf32, #tpu.memory_space<hbm>>
      tpu.enqueue_dma source(%arg8 : memref<128x32xf32, #tpu.memory_space<vmem>>) target(%dma_start3A_108 : memref<128x32xf32, #tpu.memory_space<hbm>>) target_semaphore(%arg16 : memref<!tpu.dma_semaphore, #tpu.memory_space<semaphore_mem>>)
      %dma_start3A_109 = arith.constant 0 : i32
      %dma_start3A_110 = arith.constant 96 : i32
      %dma_start3A_111 = tpu.memref_slice %arg4[%mul3A_12, %add3A, %dma_start3A_109, %dma_start3A_110] : memref<50x32x128x128xf32, #tpu.memory_space<hbm>> -> memref<1x1x128x32xf32, #tpu.memory_space<hbm>>
      %dma_start3A_112 = tpu.memref_squeeze %dma_start3A_111 : memref<1x1x128x32xf32, #tpu.memory_space<hbm>> -> memref<128x32xf32, #tpu.memory_space<hbm>>
      %dma_start3A_113 = arith.constant 0 : i32
      %dma_start3A_114 = arith.constant 96 : i32
      %dma_start3A_115 = tpu.memref_slice %arg4[%mul3A_12, %add3A, %dma_start3A_113, %dma_start3A_114] : memref<50x32x128x128xf32, #tpu.memory_space<hbm>> -> memref<1x1x128x32xf32, #tpu.memory_space<hbm>>
      %dma_start3A_116 = tpu.memref_squeeze %dma_start3A_115 : memref<1x1x128x32xf32, #tpu.memory_space<hbm>> -> memref<128x32xf32, #tpu.memory_space<hbm>>
      tpu.enqueue_dma source(%arg9 : memref<128x32xf32, #tpu.memory_space<vmem>>) target(%dma_start3A_116 : memref<128x32xf32, #tpu.memory_space<hbm>>) target_semaphore(%arg16 : memref<!tpu.dma_semaphore, #tpu.memory_space<semaphore_mem>>)
      %dma_wait3A_117 = arith.constant 0 : i32
      %dma_wait3A_118 = tpu.memref_slice %arg5[%add3A_14, %dma_wait3A_117] : memref<50x512xi32, #tpu.memory_space<vmem>> -> memref<1x128xi32, #tpu.memory_space<vmem>>
      %dma_wait3A_119 = tpu.memref_squeeze %dma_wait3A_118 : memref<1x128xi32, #tpu.memory_space<vmem>> -> memref<128xi32, #tpu.memory_space<vmem>>
      %dma_wait3A_120 = arith.constant 0 : i32
      %dma_wait3A_121 = arith.constant 0 : i32
      %dma_wait3A_122 = tpu.memref_slice %arg3[%dma_wait3A_120, %dma_wait3A_121] : memref<1000000x32xf32, #tpu.memory_space<hbm>> -> memref<1000000x32xf32, #tpu.memory_space<hbm>>
      tpu.wait_indirect_dma semaphore(%arg15 : memref<!tpu.dma_semaphore, #tpu.memory_space<semaphore_mem>>) src(%dma_wait3A_122 : memref<1000000x32xf32, #tpu.memory_space<hbm>>) dst(%arg10 : memref<128x32xf32, #tpu.memory_space<vmem>>)
      %dma_wait3A_123 = arith.constant 128 : i32
      %dma_wait3A_124 = tpu.memref_slice %arg5[%add3A_14, %dma_wait3A_123] : memref<50x512xi32, #tpu.memory_space<vmem>> -> memref<1x128xi32, #tpu.memory_space<vmem>>
      %dma_wait3A_125 = tpu.memref_squeeze %dma_wait3A_124 : memref<1x128xi32, #tpu.memory_space<vmem>> -> memref<128xi32, #tpu.memory_space<vmem>>
      %dma_wait3A_126 = arith.constant 0 : i32
      %dma_wait3A_127 = arith.constant 0 : i32
      %dma_wait3A_128 = tpu.memref_slice %arg3[%dma_wait3A_126, %dma_wait3A_127] : memref<1000000x32xf32, #tpu.memory_space<hbm>> -> memref<1000000x32xf32, #tpu.memory_space<hbm>>
      tpu.wait_indirect_dma semaphore(%arg15 : memref<!tpu.dma_semaphore, #tpu.memory_space<semaphore_mem>>) src(%dma_wait3A_128 : memref<1000000x32xf32, #tpu.memory_space<hbm>>) dst(%arg11 : memref<128x32xf32, #tpu.memory_space<vmem>>)
      %dma_wait3A_129 = arith.constant 256 : i32
      %dma_wait3A_130 = tpu.memref_slice %arg5[%add3A_14, %dma_wait3A_129] : memref<50x512xi32, #tpu.memory_space<vmem>> -> memref<1x128xi32, #tpu.memory_space<vmem>>
      %dma_wait3A_131 = tpu.memref_squeeze %dma_wait3A_130 : memref<1x128xi32, #tpu.memory_space<vmem>> -> memref<128xi32, #tpu.memory_space<vmem>>
      %dma_wait3A_132 = arith.constant 0 : i32
      %dma_wait3A_133 = arith.constant 0 : i32
      %dma_wait3A_134 = tpu.memref_slice %arg3[%dma_wait3A_132, %dma_wait3A_133] : memref<1000000x32xf32, #tpu.memory_space<hbm>> -> memref<1000000x32xf32, #tpu.memory_space<hbm>>
      tpu.wait_indirect_dma semaphore(%arg15 : memref<!tpu.dma_semaphore, #tpu.memory_space<semaphore_mem>>) src(%dma_wait3A_134 : memref<1000000x32xf32, #tpu.memory_space<hbm>>) dst(%arg12 : memref<128x32xf32, #tpu.memory_space<vmem>>)
      %dma_wait3A_135 = arith.constant 384 : i32
      %dma_wait3A_136 = tpu.memref_slice %arg5[%add3A_14, %dma_wait3A_135] : memref<50x512xi32, #tpu.memory_space<vmem>> -> memref<1x128xi32, #tpu.memory_space<vmem>>
      %dma_wait3A_137 = tpu.memref_squeeze %dma_wait3A_136 : memref<1x128xi32, #tpu.memory_space<vmem>> -> memref<128xi32, #tpu.memory_space<vmem>>
      %dma_wait3A_138 = arith.constant 0 : i32
      %dma_wait3A_139 = arith.constant 0 : i32
      %dma_wait3A_140 = tpu.memref_slice %arg3[%dma_wait3A_138, %dma_wait3A_139] : memref<1000000x32xf32, #tpu.memory_space<hbm>> -> memref<1000000x32xf32, #tpu.memory_space<hbm>>
      tpu.wait_indirect_dma semaphore(%arg15 : memref<!tpu.dma_semaphore, #tpu.memory_space<semaphore_mem>>) src(%dma_wait3A_140 : memref<1000000x32xf32, #tpu.memory_space<hbm>>) dst(%arg13 : memref<128x32xf32, #tpu.memory_space<vmem>>)
      %dma_start3A_141 = arith.constant 0 : i32
      %dma_start3A_142 = arith.constant 0 : i32
      %dma_start3A_143 = tpu.memref_slice %arg4[%add3A_14, %add3A, %dma_start3A_141, %dma_start3A_142] : memref<50x32x128x128xf32, #tpu.memory_space<hbm>> -> memref<1x1x128x32xf32, #tpu.memory_space<hbm>>
      %dma_start3A_144 = tpu.memref_squeeze %dma_start3A_143 : memref<1x1x128x32xf32, #tpu.memory_space<hbm>> -> memref<128x32xf32, #tpu.memory_space<hbm>>
      %dma_start3A_145 = arith.constant 0 : i32
      %dma_start3A_146 = arith.constant 0 : i32
      %dma_start3A_147 = tpu.memref_slice %arg4[%add3A_14, %add3A, %dma_start3A_145, %dma_start3A_146] : memref<50x32x128x128xf32, #tpu.memory_space<hbm>> -> memref<1x1x128x32xf32, #tpu.memory_space<hbm>>
      %dma_start3A_148 = tpu.memref_squeeze %dma_start3A_147 : memref<1x1x128x32xf32, #tpu.memory_space<hbm>> -> memref<128x32xf32, #tpu.memory_space<hbm>>
      tpu.enqueue_dma source(%arg10 : memref<128x32xf32, #tpu.memory_space<vmem>>) target(%dma_start3A_148 : memref<128x32xf32, #tpu.memory_space<hbm>>) target_semaphore(%arg17 : memref<!tpu.dma_semaphore, #tpu.memory_space<semaphore_mem>>)
      %dma_start3A_149 = arith.constant 0 : i32
      %dma_start3A_150 = arith.constant 32 : i32
      %dma_start3A_151 = tpu.memref_slice %arg4[%add3A_14, %add3A, %dma_start3A_149, %dma_start3A_150] : memref<50x32x128x128xf32, #tpu.memory_space<hbm>> -> memref<1x1x128x32xf32, #tpu.memory_space<hbm>>
      %dma_start3A_152 = tpu.memref_squeeze %dma_start3A_151 : memref<1x1x128x32xf32, #tpu.memory_space<hbm>> -> memref<128x32xf32, #tpu.memory_space<hbm>>
      %dma_start3A_153 = arith.constant 0 : i32
      %dma_start3A_154 = arith.constant 32 : i32
      %dma_start3A_155 = tpu.memref_slice %arg4[%add3A_14, %add3A, %dma_start3A_153, %dma_start3A_154] : memref<50x32x128x128xf32, #tpu.memory_space<hbm>> -> memref<1x1x128x32xf32, #tpu.memory_space<hbm>>
      %dma_start3A_156 = tpu.memref_squeeze %dma_start3A_155 : memref<1x1x128x32xf32, #tpu.memory_space<hbm>> -> memref<128x32xf32, #tpu.memory_space<hbm>>
      tpu.enqueue_dma source(%arg11 : memref<128x32xf32, #tpu.memory_space<vmem>>) target(%dma_start3A_156 : memref<128x32xf32, #tpu.memory_space<hbm>>) target_semaphore(%arg17 : memref<!tpu.dma_semaphore, #tpu.memory_space<semaphore_mem>>)
      %dma_start3A_157 = arith.constant 0 : i32
      %dma_start3A_158 = arith.constant 64 : i32
      %dma_start3A_159 = tpu.memref_slice %arg4[%add3A_14, %add3A, %dma_start3A_157, %dma_start3A_158] : memref<50x32x128x128xf32, #tpu.memory_space<hbm>> -> memref<1x1x128x32xf32, #tpu.memory_space<hbm>>
      %dma_start3A_160 = tpu.memref_squeeze %dma_start3A_159 : memref<1x1x128x32xf32, #tpu.memory_space<hbm>> -> memref<128x32xf32, #tpu.memory_space<hbm>>
      %dma_start3A_161 = arith.constant 0 : i32
      %dma_start3A_162 = arith.constant 64 : i32
      %dma_start3A_163 = tpu.memref_slice %arg4[%add3A_14, %add3A, %dma_start3A_161, %dma_start3A_162] : memref<50x32x128x128xf32, #tpu.memory_space<hbm>> -> memref<1x1x128x32xf32, #tpu.memory_space<hbm>>
      %dma_start3A_164 = tpu.memref_squeeze %dma_start3A_163 : memref<1x1x128x32xf32, #tpu.memory_space<hbm>> -> memref<128x32xf32, #tpu.memory_space<hbm>>
      tpu.enqueue_dma source(%arg12 : memref<128x32xf32, #tpu.memory_space<vmem>>) target(%dma_start3A_164 : memref<128x32xf32, #tpu.memory_space<hbm>>) target_semaphore(%arg17 : memref<!tpu.dma_semaphore, #tpu.memory_space<semaphore_mem>>)
      %dma_start3A_165 = arith.constant 0 : i32
      %dma_start3A_166 = arith.constant 96 : i32
      %dma_start3A_167 = tpu.memref_slice %arg4[%add3A_14, %add3A, %dma_start3A_165, %dma_start3A_166] : memref<50x32x128x128xf32, #tpu.memory_space<hbm>> -> memref<1x1x128x32xf32, #tpu.memory_space<hbm>>
      %dma_start3A_168 = tpu.memref_squeeze %dma_start3A_167 : memref<1x1x128x32xf32, #tpu.memory_space<hbm>> -> memref<128x32xf32, #tpu.memory_space<hbm>>
      %dma_start3A_169 = arith.constant 0 : i32
      %dma_start3A_170 = arith.constant 96 : i32
      %dma_start3A_171 = tpu.memref_slice %arg4[%add3A_14, %add3A, %dma_start3A_169, %dma_start3A_170] : memref<50x32x128x128xf32, #tpu.memory_space<hbm>> -> memref<1x1x128x32xf32, #tpu.memory_space<hbm>>
      %dma_start3A_172 = tpu.memref_squeeze %dma_start3A_171 : memref<1x1x128x32xf32, #tpu.memory_space<hbm>> -> memref<128x32xf32, #tpu.memory_space<hbm>>
      tpu.enqueue_dma source(%arg13 : memref<128x32xf32, #tpu.memory_space<vmem>>) target(%dma_start3A_172 : memref<128x32xf32, #tpu.memory_space<hbm>>) target_semaphore(%arg17 : memref<!tpu.dma_semaphore, #tpu.memory_space<semaphore_mem>>)
      %dma_wait3A_173 = arith.constant 0 : i32
      %dma_wait3A_174 = arith.constant 0 : i32
      %dma_wait3A_175 = tpu.memref_slice %arg4[%mul3A_12, %add3A, %dma_wait3A_173, %dma_wait3A_174] : memref<50x32x128x128xf32, #tpu.memory_space<hbm>> -> memref<1x1x128x32xf32, #tpu.memory_space<hbm>>
      %dma_wait3A_176 = tpu.memref_squeeze %dma_wait3A_175 : memref<1x1x128x32xf32, #tpu.memory_space<hbm>> -> memref<128x32xf32, #tpu.memory_space<hbm>>
      %dma_wait3A_177 = arith.constant 0 : i32
      %dma_wait3A_178 = arith.constant 0 : i32
      %dma_wait3A_179 = tpu.memref_slice %arg4[%mul3A_12, %add3A, %dma_wait3A_177, %dma_wait3A_178] : memref<50x32x128x128xf32, #tpu.memory_space<hbm>> -> memref<1x1x128x32xf32, #tpu.memory_space<hbm>>
      %dma_wait3A_180 = tpu.memref_squeeze %dma_wait3A_179 : memref<1x1x128x32xf32, #tpu.memory_space<hbm>> -> memref<128x32xf32, #tpu.memory_space<hbm>>
      tpu.wait_dma2 semaphore(%arg16 : memref<!tpu.dma_semaphore, #tpu.memory_space<semaphore_mem>>) src(%arg6 : memref<128x32xf32, #tpu.memory_space<vmem>>) dst(%dma_wait3A_180 : memref<128x32xf32, #tpu.memory_space<hbm>>)
      %dma_wait3A_181 = arith.constant 0 : i32
      %dma_wait3A_182 = arith.constant 32 : i32
      %dma_wait3A_183 = tpu.memref_slice %arg4[%mul3A_12, %add3A, %dma_wait3A_181, %dma_wait3A_182] : memref<50x32x128x128xf32, #tpu.memory_space<hbm>> -> memref<1x1x128x32xf32, #tpu.memory_space<hbm>>
      %dma_wait3A_184 = tpu.memref_squeeze %dma_wait3A_183 : memref<1x1x128x32xf32, #tpu.memory_space<hbm>> -> memref<128x32xf32, #tpu.memory_space<hbm>>
      %dma_wait3A_185 = arith.constant 0 : i32
      %dma_wait3A_186 = arith.constant 32 : i32
      %dma_wait3A_187 = tpu.memref_slice %arg4[%mul3A_12, %add3A, %dma_wait3A_185, %dma_wait3A_186] : memref<50x32x128x128xf32, #tpu.memory_space<hbm>> -> memref<1x1x128x32xf32, #tpu.memory_space<hbm>>
      %dma_wait3A_188 = tpu.memref_squeeze %dma_wait3A_187 : memref<1x1x128x32xf32, #tpu.memory_space<hbm>> -> memref<128x32xf32, #tpu.memory_space<hbm>>
      tpu.wait_dma2 semaphore(%arg16 : memref<!tpu.dma_semaphore, #tpu.memory_space<semaphore_mem>>) src(%arg7 : memref<128x32xf32, #tpu.memory_space<vmem>>) dst(%dma_wait3A_188 : memref<128x32xf32, #tpu.memory_space<hbm>>)
      %dma_wait3A_189 = arith.constant 0 : i32
      %dma_wait3A_190 = arith.constant 64 : i32
      %dma_wait3A_191 = tpu.memref_slice %arg4[%mul3A_12, %add3A, %dma_wait3A_189, %dma_wait3A_190] : memref<50x32x128x128xf32, #tpu.memory_space<hbm>> -> memref<1x1x128x32xf32, #tpu.memory_space<hbm>>
      %dma_wait3A_192 = tpu.memref_squeeze %dma_wait3A_191 : memref<1x1x128x32xf32, #tpu.memory_space<hbm>> -> memref<128x32xf32, #tpu.memory_space<hbm>>
      %dma_wait3A_193 = arith.constant 0 : i32
      %dma_wait3A_194 = arith.constant 64 : i32
      %dma_wait3A_195 = tpu.memref_slice %arg4[%mul3A_12, %add3A, %dma_wait3A_193, %dma_wait3A_194] : memref<50x32x128x128xf32, #tpu.memory_space<hbm>> -> memref<1x1x128x32xf32, #tpu.memory_space<hbm>>
      %dma_wait3A_196 = tpu.memref_squeeze %dma_wait3A_195 : memref<1x1x128x32xf32, #tpu.memory_space<hbm>> -> memref<128x32xf32, #tpu.memory_space<hbm>>
      tpu.wait_dma2 semaphore(%arg16 : memref<!tpu.dma_semaphore, #tpu.memory_space<semaphore_mem>>) src(%arg8 : memref<128x32xf32, #tpu.memory_space<vmem>>) dst(%dma_wait3A_196 : memref<128x32xf32, #tpu.memory_space<hbm>>)
      %dma_wait3A_197 = arith.constant 0 : i32
      %dma_wait3A_198 = arith.constant 96 : i32
      %dma_wait3A_199 = tpu.memref_slice %arg4[%mul3A_12, %add3A, %dma_wait3A_197, %dma_wait3A_198] : memref<50x32x128x128xf32, #tpu.memory_space<hbm>> -> memref<1x1x128x32xf32, #tpu.memory_space<hbm>>
      %dma_wait3A_200 = tpu.memref_squeeze %dma_wait3A_199 : memref<1x1x128x32xf32, #tpu.memory_space<hbm>> -> memref<128x32xf32, #tpu.memory_space<hbm>>
      %dma_wait3A_201 = arith.constant 0 : i32
      %dma_wait3A_202 = arith.constant 96 : i32
      %dma_wait3A_203 = tpu.memref_slice %arg4[%mul3A_12, %add3A, %dma_wait3A_201, %dma_wait3A_202] : memref<50x32x128x128xf32, #tpu.memory_space<hbm>> -> memref<1x1x128x32xf32, #tpu.memory_space<hbm>>
      %dma_wait3A_204 = tpu.memref_squeeze %dma_wait3A_203 : memref<1x1x128x32xf32, #tpu.memory_space<hbm>> -> memref<128x32xf32, #tpu.memory_space<hbm>>
      tpu.wait_dma2 semaphore(%arg16 : memref<!tpu.dma_semaphore, #tpu.memory_space<semaphore_mem>>) src(%arg9 : memref<128x32xf32, #tpu.memory_space<vmem>>) dst(%dma_wait3A_204 : memref<128x32xf32, #tpu.memory_space<hbm>>)
      %dma_wait3A_205 = arith.constant 0 : i32
      %dma_wait3A_206 = arith.constant 0 : i32
      %dma_wait3A_207 = tpu.memref_slice %arg4[%add3A_14, %add3A, %dma_wait3A_205, %dma_wait3A_206] : memref<50x32x128x128xf32, #tpu.memory_space<hbm>> -> memref<1x1x128x32xf32, #tpu.memory_space<hbm>>
      %dma_wait3A_208 = tpu.memref_squeeze %dma_wait3A_207 : memref<1x1x128x32xf32, #tpu.memory_space<hbm>> -> memref<128x32xf32, #tpu.memory_space<hbm>>
      %dma_wait3A_209 = arith.constant 0 : i32
      %dma_wait3A_210 = arith.constant 0 : i32
      %dma_wait3A_211 = tpu.memref_slice %arg4[%add3A_14, %add3A, %dma_wait3A_209, %dma_wait3A_210] : memref<50x32x128x128xf32, #tpu.memory_space<hbm>> -> memref<1x1x128x32xf32, #tpu.memory_space<hbm>>
      %dma_wait3A_212 = tpu.memref_squeeze %dma_wait3A_211 : memref<1x1x128x32xf32, #tpu.memory_space<hbm>> -> memref<128x32xf32, #tpu.memory_space<hbm>>
      tpu.wait_dma2 semaphore(%arg17 : memref<!tpu.dma_semaphore, #tpu.memory_space<semaphore_mem>>) src(%arg10 : memref<128x32xf32, #tpu.memory_space<vmem>>) dst(%dma_wait3A_212 : memref<128x32xf32, #tpu.memory_space<hbm>>)
      %dma_wait3A_213 = arith.constant 0 : i32
      %dma_wait3A_214 = arith.constant 32 : i32
      %dma_wait3A_215 = tpu.memref_slice %arg4[%add3A_14, %add3A, %dma_wait3A_213, %dma_wait3A_214] : memref<50x32x128x128xf32, #tpu.memory_space<hbm>> -> memref<1x1x128x32xf32, #tpu.memory_space<hbm>>
      %dma_wait3A_216 = tpu.memref_squeeze %dma_wait3A_215 : memref<1x1x128x32xf32, #tpu.memory_space<hbm>> -> memref<128x32xf32, #tpu.memory_space<hbm>>
      %dma_wait3A_217 = arith.constant 0 : i32
      %dma_wait3A_218 = arith.constant 32 : i32
      %dma_wait3A_219 = tpu.memref_slice %arg4[%add3A_14, %add3A, %dma_wait3A_217, %dma_wait3A_218] : memref<50x32x128x128xf32, #tpu.memory_space<hbm>> -> memref<1x1x128x32xf32, #tpu.memory_space<hbm>>
      %dma_wait3A_220 = tpu.memref_squeeze %dma_wait3A_219 : memref<1x1x128x32xf32, #tpu.memory_space<hbm>> -> memref<128x32xf32, #tpu.memory_space<hbm>>
      tpu.wait_dma2 semaphore(%arg17 : memref<!tpu.dma_semaphore, #tpu.memory_space<semaphore_mem>>) src(%arg11 : memref<128x32xf32, #tpu.memory_space<vmem>>) dst(%dma_wait3A_220 : memref<128x32xf32, #tpu.memory_space<hbm>>)
      %dma_wait3A_221 = arith.constant 0 : i32
      %dma_wait3A_222 = arith.constant 64 : i32
      %dma_wait3A_223 = tpu.memref_slice %arg4[%add3A_14, %add3A, %dma_wait3A_221, %dma_wait3A_222] : memref<50x32x128x128xf32, #tpu.memory_space<hbm>> -> memref<1x1x128x32xf32, #tpu.memory_space<hbm>>
      %dma_wait3A_224 = tpu.memref_squeeze %dma_wait3A_223 : memref<1x1x128x32xf32, #tpu.memory_space<hbm>> -> memref<128x32xf32, #tpu.memory_space<hbm>>
      %dma_wait3A_225 = arith.constant 0 : i32
      %dma_wait3A_226 = arith.constant 64 : i32
      %dma_wait3A_227 = tpu.memref_slice %arg4[%add3A_14, %add3A, %dma_wait3A_225, %dma_wait3A_226] : memref<50x32x128x128xf32, #tpu.memory_space<hbm>> -> memref<1x1x128x32xf32, #tpu.memory_space<hbm>>
      %dma_wait3A_228 = tpu.memref_squeeze %dma_wait3A_227 : memref<1x1x128x32xf32, #tpu.memory_space<hbm>> -> memref<128x32xf32, #tpu.memory_space<hbm>>
      tpu.wait_dma2 semaphore(%arg17 : memref<!tpu.dma_semaphore, #tpu.memory_space<semaphore_mem>>) src(%arg12 : memref<128x32xf32, #tpu.memory_space<vmem>>) dst(%dma_wait3A_228 : memref<128x32xf32, #tpu.memory_space<hbm>>)
      %dma_wait3A_229 = arith.constant 0 : i32
      %dma_wait3A_230 = arith.constant 96 : i32
      %dma_wait3A_231 = tpu.memref_slice %arg4[%add3A_14, %add3A, %dma_wait3A_229, %dma_wait3A_230] : memref<50x32x128x128xf32, #tpu.memory_space<hbm>> -> memref<1x1x128x32xf32, #tpu.memory_space<hbm>>
      %dma_wait3A_232 = tpu.memref_squeeze %dma_wait3A_231 : memref<1x1x128x32xf32, #tpu.memory_space<hbm>> -> memref<128x32xf32, #tpu.memory_space<hbm>>
      %dma_wait3A_233 = arith.constant 0 : i32
      %dma_wait3A_234 = arith.constant 96 : i32
      %dma_wait3A_235 = tpu.memref_slice %arg4[%add3A_14, %add3A, %dma_wait3A_233, %dma_wait3A_234] : memref<50x32x128x128xf32, #tpu.memory_space<hbm>> -> memref<1x1x128x32xf32, #tpu.memory_space<hbm>>
      %dma_wait3A_236 = tpu.memref_squeeze %dma_wait3A_235 : memref<1x1x128x32xf32, #tpu.memory_space<hbm>> -> memref<128x32xf32, #tpu.memory_space<hbm>>
      tpu.wait_dma2 semaphore(%arg17 : memref<!tpu.dma_semaphore, #tpu.memory_space<semaphore_mem>>) src(%arg13 : memref<128x32xf32, #tpu.memory_space<vmem>>) dst(%dma_wait3A_236 : memref<128x32xf32, #tpu.memory_space<hbm>>)
      %scan3A_237 = arith.constant 0 : i32
      scf.yield %scan3A_237 : i32
    }
    %scan3A_8 = arith.constant 25 : i32
    return
  }
}

module attributes {stable_mosaic.version = 14 : i64} {
  func.func @body(%arg0: i32, %arg1: i32, %arg2: memref<1x32x128x128xf32, #tpu.memory_space<vmem>>, %arg3: memref<1x32x16384xf32, #tpu.memory_space<vmem>>) attributes {dimension_semantics = [#tpu.dimension_semantics<arbitrary>, #tpu.dimension_semantics<arbitrary>], iteration_bounds = array<i64: 50, 1>, scalar_prefetch = 0 : i64, scratch_operands = 0 : i64, tpu.core_type = #tpu.core_type<tc>, window_params = [{transform_indices = @transform_0, window_bounds = array<i64: 1, 32, 128, 128>}, {transform_indices = @transform_1, window_bounds = array<i64: 1, 32, 16384>}]} {
    %get3A = arith.constant 0 : index
    %get3A_0 = arith.constant 0 : index
    %get3A_1 = arith.constant 0 : index
    %get3A_2 = arith.constant 0 : index
    %get3A_3 = vector.load %arg2[%get3A, %get3A_0, %get3A_1, %get3A_2] : memref<1x32x128x128xf32, #tpu.memory_space<vmem>>, vector<1x1x128x128xf32>
    %get3A_4 = vector.shape_cast %get3A_3 : vector<1x1x128x128xf32> to vector<128x128xf32>
    %transpose3A = tpu.transpose %get3A_4, [1, 0] : vector<128x128xf32> -> vector<128x128xf32>
    %slice3A = vector.extract_strided_slice %transpose3A {offsets = [0, 0], sizes = [32, 128], strides = [1, 1]} : vector<128x128xf32> to vector<32x128xf32>
    %swap3A = arith.constant 0 : index
    %swap3A_5 = arith.constant 0 : index
    %swap3A_6 = arith.constant 0 : index
    %swap3A_7 = vector.load %arg3[%swap3A, %swap3A_5, %swap3A_6] : memref<1x32x16384xf32, #tpu.memory_space<vmem>>, vector<1x32x128xf32>
    %swap3A_8 = vector.shape_cast %swap3A_7 : vector<1x32x128xf32> to vector<32x128xf32>
    %swap3A_9 = vector.shape_cast %slice3A : vector<32x128xf32> to vector<1x32x128xf32>
    tpu.vector_store %arg3[%swap3A, %swap3A_5, %swap3A_6], %swap3A_9 {strides = array<i32>} : memref<1x32x16384xf32, #tpu.memory_space<vmem>>, vector<1x32x128xf32>,
    %slice3A_10 = vector.extract_strided_slice %transpose3A {offsets = [32, 0], sizes = [32, 128], strides = [1, 1]} : vector<128x128xf32> to vector<32x128xf32>
    %swap3A_11 = arith.constant 0 : index
    %swap3A_12 = arith.constant 0 : index
    %swap3A_13 = arith.constant 128 : index
    %swap3A_14 = vector.load %arg3[%swap3A_11, %swap3A_12, %swap3A_13] : memref<1x32x16384xf32, #tpu.memory_space<vmem>>, vector<1x32x128xf32>
    %swap3A_15 = vector.shape_cast %swap3A_14 : vector<1x32x128xf32> to vector<32x128xf32>
    %swap3A_16 = vector.shape_cast %slice3A_10 : vector<32x128xf32> to vector<1x32x128xf32>
    tpu.vector_store %arg3[%swap3A_11, %swap3A_12, %swap3A_13], %swap3A_16 {strides = array<i32>} : memref<1x32x16384xf32, #tpu.memory_space<vmem>>, vector<1x32x128xf32>,
    %slice3A_17 = vector.extract_strided_slice %transpose3A {offsets = [64, 0], sizes = [32, 128], strides = [1, 1]} : vector<128x128xf32> to vector<32x128xf32>
    %swap3A_18 = arith.constant 0 : index
    %swap3A_19 = arith.constant 0 : index
    %swap3A_20 = arith.constant 256 : index
    %swap3A_21 = vector.load %arg3[%swap3A_18, %swap3A_19, %swap3A_20] : memref<1x32x16384xf32, #tpu.memory_space<vmem>>, vector<1x32x128xf32>
    %swap3A_22 = vector.shape_cast %swap3A_21 : vector<1x32x128xf32> to vector<32x128xf32>
    %swap3A_23 = vector.shape_cast %slice3A_17 : vector<32x128xf32> to vector<1x32x128xf32>
    tpu.vector_store %arg3[%swap3A_18, %swap3A_19, %swap3A_20], %swap3A_23 {strides = array<i32>} : memref<1x32x16384xf32, #tpu.memory_space<vmem>>, vector<1x32x128xf32>,
    %slice3A_24 = vector.extract_strided_slice %transpose3A {offsets = [96, 0], sizes = [32, 128], strides = [1, 1]} : vector<128x128xf32> to vector<32x128xf32>
    %swap3A_25 = arith.constant 0 : index
    %swap3A_26 = arith.constant 0 : index
    %swap3A_27 = arith.constant 384 : index
    %swap3A_28 = vector.load %arg3[%swap3A_25, %swap3A_26, %swap3A_27] : memref<1x32x16384xf32, #tpu.memory_space<vmem>>, vector<1x32x128xf32>
    %swap3A_29 = vector.shape_cast %swap3A_28 : vector<1x32x128xf32> to vector<32x128xf32>
    %swap3A_30 = vector.shape_cast %slice3A_24 : vector<32x128xf32> to vector<1x32x128xf32>
    tpu.vector_store %arg3[%swap3A_25, %swap3A_26, %swap3A_27], %swap3A_30 {strides = array<i32>} : memref<1x32x16384xf32, #tpu.memory_space<vmem>>, vector<1x32x128xf32>,
    %get3A_31 = arith.constant 0 : index
    %get3A_32 = arith.constant 1 : index
    %get3A_33 = arith.constant 0 : index
    %get3A_34 = arith.constant 0 : index
    %get3A_35 = vector.load %arg2[%get3A_31, %get3A_32, %get3A_33, %get3A_34] : memref<1x32x128x128xf32, #tpu.memory_space<vmem>>, vector<1x1x128x128xf32>
    %get3A_36 = vector.shape_cast %get3A_35 : vector<1x1x128x128xf32> to vector<128x128xf32>
    %transpose3A_37 = tpu.transpose %get3A_36, [1, 0] : vector<128x128xf32> -> vector<128x128xf32>
    %slice3A_38 = vector.extract_strided_slice %transpose3A_37 {offsets = [0, 0], sizes = [32, 128], strides = [1, 1]} : vector<128x128xf32> to vector<32x128xf32>
    %swap3A_39 = arith.constant 0 : index
    %swap3A_40 = arith.constant 0 : index
    %swap3A_41 = arith.constant 512 : index
    %swap3A_42 = vector.load %arg3[%swap3A_39, %swap3A_40, %swap3A_41] : memref<1x32x16384xf32, #tpu.memory_space<vmem>>, vector<1x32x128xf32>
    %swap3A_43 = vector.shape_cast %swap3A_42 : vector<1x32x128xf32> to vector<32x128xf32>
    %swap3A_44 = vector.shape_cast %slice3A_38 : vector<32x128xf32> to vector<1x32x128xf32>
    tpu.vector_store %arg3[%swap3A_39, %swap3A_40, %swap3A_41], %swap3A_44 {strides = array<i32>} : memref<1x32x16384xf32, #tpu.memory_space<vmem>>, vector<1x32x128xf32>,
    %slice3A_45 = vector.extract_strided_slice %transpose3A_37 {offsets = [32, 0], sizes = [32, 128], strides = [1, 1]} : vector<128x128xf32> to vector<32x128xf32>
    %swap3A_46 = arith.constant 0 : index
    %swap3A_47 = arith.constant 0 : index
    %swap3A_48 = arith.constant 640 : index
    %swap3A_49 = vector.load %arg3[%swap3A_46, %swap3A_47, %swap3A_48] : memref<1x32x16384xf32, #tpu.memory_space<vmem>>, vector<1x32x128xf32>
    %swap3A_50 = vector.shape_cast %swap3A_49 : vector<1x32x128xf32> to vector<32x128xf32>
    %swap3A_51 = vector.shape_cast %slice3A_45 : vector<32x128xf32> to vector<1x32x128xf32>
    tpu.vector_store %arg3[%swap3A_46, %swap3A_47, %swap3A_48], %swap3A_51 {strides = array<i32>} : memref<1x32x16384xf32, #tpu.memory_space<vmem>>, vector<1x32x128xf32>,
    %slice3A_52 = vector.extract_strided_slice %transpose3A_37 {offsets = [64, 0], sizes = [32, 128], strides = [1, 1]} : vector<128x128xf32> to vector<32x128xf32>
    %swap3A_53 = arith.constant 0 : index
    %swap3A_54 = arith.constant 0 : index
    %swap3A_55 = arith.constant 768 : index
    %swap3A_56 = vector.load %arg3[%swap3A_53, %swap3A_54, %swap3A_55] : memref<1x32x16384xf32, #tpu.memory_space<vmem>>, vector<1x32x128xf32>
    %swap3A_57 = vector.shape_cast %swap3A_56 : vector<1x32x128xf32> to vector<32x128xf32>
    %swap3A_58 = vector.shape_cast %slice3A_52 : vector<32x128xf32> to vector<1x32x128xf32>
    tpu.vector_store %arg3[%swap3A_53, %swap3A_54, %swap3A_55], %swap3A_58 {strides = array<i32>} : memref<1x32x16384xf32, #tpu.memory_space<vmem>>, vector<1x32x128xf32>,
    %slice3A_59 = vector.extract_strided_slice %transpose3A_37 {offsets = [96, 0], sizes = [32, 128], strides = [1, 1]} : vector<128x128xf32> to vector<32x128xf32>
    %swap3A_60 = arith.constant 0 : index
    %swap3A_61 = arith.constant 0 : index
    %swap3A_62 = arith.constant 896 : index
    %swap3A_63 = vector.load %arg3[%swap3A_60, %swap3A_61, %swap3A_62] : memref<1x32x16384xf32, #tpu.memory_space<vmem>>, vector<1x32x128xf32>
    %swap3A_64 = vector.shape_cast %swap3A_63 : vector<1x32x128xf32> to vector<32x128xf32>
    %swap3A_65 = vector.shape_cast %slice3A_59 : vector<32x128xf32> to vector<1x32x128xf32>
    tpu.vector_store %arg3[%swap3A_60, %swap3A_61, %swap3A_62], %swap3A_65 {strides = array<i32>} : memref<1x32x16384xf32, #tpu.memory_space<vmem>>, vector<1x32x128xf32>,
    %get3A_66 = arith.constant 0 : index
    %get3A_67 = arith.constant 2 : index
    %get3A_68 = arith.constant 0 : index
    %get3A_69 = arith.constant 0 : index
    %get3A_70 = vector.load %arg2[%get3A_66, %get3A_67, %get3A_68, %get3A_69] : memref<1x32x128x128xf32, #tpu.memory_space<vmem>>, vector<1x1x128x128xf32>
    %get3A_71 = vector.shape_cast %get3A_70 : vector<1x1x128x128xf32> to vector<128x128xf32>
    %transpose3A_72 = tpu.transpose %get3A_71, [1, 0] : vector<128x128xf32> -> vector<128x128xf32>
    %slice3A_73 = vector.extract_strided_slice %transpose3A_72 {offsets = [0, 0], sizes = [32, 128], strides = [1, 1]} : vector<128x128xf32> to vector<32x128xf32>
    %swap3A_74 = arith.constant 0 : index
    %swap3A_75 = arith.constant 0 : index
    %swap3A_76 = arith.constant 1024 : index
    %swap3A_77 = vector.load %arg3[%swap3A_74, %swap3A_75, %swap3A_76] : memref<1x32x16384xf32, #tpu.memory_space<vmem>>, vector<1x32x128xf32>
    %swap3A_78 = vector.shape_cast %swap3A_77 : vector<1x32x128xf32> to vector<32x128xf32>
    %swap3A_79 = vector.shape_cast %slice3A_73 : vector<32x128xf32> to vector<1x32x128xf32>
    tpu.vector_store %arg3[%swap3A_74, %swap3A_75, %swap3A_76], %swap3A_79 {strides = array<i32>} : memref<1x32x16384xf32, #tpu.memory_space<vmem>>, vector<1x32x128xf32>,
    %slice3A_80 = vector.extract_strided_slice %transpose3A_72 {offsets = [32, 0], sizes = [32, 128], strides = [1, 1]} : vector<128x128xf32> to vector<32x128xf32>
    %swap3A_81 = arith.constant 0 : index
    %swap3A_82 = arith.constant 0 : index
    %swap3A_83 = arith.constant 1152 : index
    %swap3A_84 = vector.load %arg3[%swap3A_81, %swap3A_82, %swap3A_83] : memref<1x32x16384xf32, #tpu.memory_space<vmem>>, vector<1x32x128xf32>
    %swap3A_85 = vector.shape_cast %swap3A_84 : vector<1x32x128xf32> to vector<32x128xf32>
    %swap3A_86 = vector.shape_cast %slice3A_80 : vector<32x128xf32> to vector<1x32x128xf32>
    tpu.vector_store %arg3[%swap3A_81, %swap3A_82, %swap3A_83], %swap3A_86 {strides = array<i32>} : memref<1x32x16384xf32, #tpu.memory_space<vmem>>, vector<1x32x128xf32>,
    %slice3A_87 = vector.extract_strided_slice %transpose3A_72 {offsets = [64, 0], sizes = [32, 128], strides = [1, 1]} : vector<128x128xf32> to vector<32x128xf32>
    %swap3A_88 = arith.constant 0 : index
    %swap3A_89 = arith.constant 0 : index
    %swap3A_90 = arith.constant 1280 : index
    %swap3A_91 = vector.load %arg3[%swap3A_88, %swap3A_89, %swap3A_90] : memref<1x32x16384xf32, #tpu.memory_space<vmem>>, vector<1x32x128xf32>
    %swap3A_92 = vector.shape_cast %swap3A_91 : vector<1x32x128xf32> to vector<32x128xf32>
    %swap3A_93 = vector.shape_cast %slice3A_87 : vector<32x128xf32> to vector<1x32x128xf32>
    tpu.vector_store %arg3[%swap3A_88, %swap3A_89, %swap3A_90], %swap3A_93 {strides = array<i32>} : memref<1x32x16384xf32, #tpu.memory_space<vmem>>, vector<1x32x128xf32>,
    %slice3A_94 = vector.extract_strided_slice %transpose3A_72 {offsets = [96, 0], sizes = [32, 128], strides = [1, 1]} : vector<128x128xf32> to vector<32x128xf32>
    %swap3A_95 = arith.constant 0 : index
    %swap3A_96 = arith.constant 0 : index
    %swap3A_97 = arith.constant 1408 : index
    %swap3A_98 = vector.load %arg3[%swap3A_95, %swap3A_96, %swap3A_97] : memref<1x32x16384xf32, #tpu.memory_space<vmem>>, vector<1x32x128xf32>
    %swap3A_99 = vector.shape_cast %swap3A_98 : vector<1x32x128xf32> to vector<32x128xf32>
    %swap3A_100 = vector.shape_cast %slice3A_94 : vector<32x128xf32> to vector<1x32x128xf32>
    tpu.vector_store %arg3[%swap3A_95, %swap3A_96, %swap3A_97], %swap3A_100 {strides = array<i32>} : memref<1x32x16384xf32, #tpu.memory_space<vmem>>, vector<1x32x128xf32>,
    %get3A_101 = arith.constant 0 : index
    %get3A_102 = arith.constant 3 : index
    %get3A_103 = arith.constant 0 : index
    %get3A_104 = arith.constant 0 : index
    %get3A_105 = vector.load %arg2[%get3A_101, %get3A_102, %get3A_103, %get3A_104] : memref<1x32x128x128xf32, #tpu.memory_space<vmem>>, vector<1x1x128x128xf32>
    %get3A_106 = vector.shape_cast %get3A_105 : vector<1x1x128x128xf32> to vector<128x128xf32>
    %transpose3A_107 = tpu.transpose %get3A_106, [1, 0] : vector<128x128xf32> -> vector<128x128xf32>
    %slice3A_108 = vector.extract_strided_slice %transpose3A_107 {offsets = [0, 0], sizes = [32, 128], strides = [1, 1]} : vector<128x128xf32> to vector<32x128xf32>
    %swap3A_109 = arith.constant 0 : index
    %swap3A_110 = arith.constant 0 : index
    %swap3A_111 = arith.constant 1536 : index
    %swap3A_112 = vector.load %arg3[%swap3A_109, %swap3A_110, %swap3A_111] : memref<1x32x16384xf32, #tpu.memory_space<vmem>>, vector<1x32x128xf32>
    %swap3A_113 = vector.shape_cast %swap3A_112 : vector<1x32x128xf32> to vector<32x128xf32>
    %swap3A_114 = vector.shape_cast %slice3A_108 : vector<32x128xf32> to vector<1x32x128xf32>
    tpu.vector_store %arg3[%swap3A_109, %swap3A_110, %swap3A_111], %swap3A_114 {strides = array<i32>} : memref<1x32x16384xf32, #tpu.memory_space<vmem>>, vector<1x32x128xf32>,
    %slice3A_115 = vector.extract_strided_slice %transpose3A_107 {offsets = [32, 0], sizes = [32, 128], strides = [1, 1]} : vector<128x128xf32> to vector<32x128xf32>
    %swap3A_116 = arith.constant 0 : index
    %swap3A_117 = arith.constant 0 : index
    %swap3A_118 = arith.constant 1664 : index
    %swap3A_119 = vector.load %arg3[%swap3A_116, %swap3A_117, %swap3A_118] : memref<1x32x16384xf32, #tpu.memory_space<vmem>>, vector<1x32x128xf32>
    %swap3A_120 = vector.shape_cast %swap3A_119 : vector<1x32x128xf32> to vector<32x128xf32>
    %swap3A_121 = vector.shape_cast %slice3A_115 : vector<32x128xf32> to vector<1x32x128xf32>
    tpu.vector_store %arg3[%swap3A_116, %swap3A_117, %swap3A_118], %swap3A_121 {strides = array<i32>} : memref<1x32x16384xf32, #tpu.memory_space<vmem>>, vector<1x32x128xf32>,
    %slice3A_122 = vector.extract_strided_slice %transpose3A_107 {offsets = [64, 0], sizes = [32, 128], strides = [1, 1]} : vector<128x128xf32> to vector<32x128xf32>
    %swap3A_123 = arith.constant 0 : index
    %swap3A_124 = arith.constant 0 : index
    %swap3A_125 = arith.constant 1792 : index
    %swap3A_126 = vector.load %arg3[%swap3A_123, %swap3A_124, %swap3A_125] : memref<1x32x16384xf32, #tpu.memory_space<vmem>>, vector<1x32x128xf32>
    %swap3A_127 = vector.shape_cast %swap3A_126 : vector<1x32x128xf32> to vector<32x128xf32>
    %swap3A_128 = vector.shape_cast %slice3A_122 : vector<32x128xf32> to vector<1x32x128xf32>
    tpu.vector_store %arg3[%swap3A_123, %swap3A_124, %swap3A_125], %swap3A_128 {strides = array<i32>} : memref<1x32x16384xf32, #tpu.memory_space<vmem>>, vector<1x32x128xf32>,
    %slice3A_129 = vector.extract_strided_slice %transpose3A_107 {offsets = [96, 0], sizes = [32, 128], strides = [1, 1]} : vector<128x128xf32> to vector<32x128xf32>
    %swap3A_130 = arith.constant 0 : index
    %swap3A_131 = arith.constant 0 : index
    %swap3A_132 = arith.constant 1920 : index
    %swap3A_133 = vector.load %arg3[%swap3A_130, %swap3A_131, %swap3A_132] : memref<1x32x16384xf32, #tpu.memory_space<vmem>>, vector<1x32x128xf32>
    %swap3A_134 = vector.shape_cast %swap3A_133 : vector<1x32x128xf32> to vector<32x128xf32>
    %swap3A_135 = vector.shape_cast %slice3A_129 : vector<32x128xf32> to vector<1x32x128xf32>
    tpu.vector_store %arg3[%swap3A_130, %swap3A_131, %swap3A_132], %swap3A_135 {strides = array<i32>} : memref<1x32x16384xf32, #tpu.memory_space<vmem>>, vector<1x32x128xf32>,
    %get3A_136 = arith.constant 0 : index
    %get3A_137 = arith.constant 4 : index
    %get3A_138 = arith.constant 0 : index
    %get3A_139 = arith.constant 0 : index
    %get3A_140 = vector.load %arg2[%get3A_136, %get3A_137, %get3A_138, %get3A_139] : memref<1x32x128x128xf32, #tpu.memory_space<vmem>>, vector<1x1x128x128xf32>
    %get3A_141 = vector.shape_cast %get3A_140 : vector<1x1x128x128xf32> to vector<128x128xf32>
    %transpose3A_142 = tpu.transpose %get3A_141, [1, 0] : vector<128x128xf32> -> vector<128x128xf32>
    %slice3A_143 = vector.extract_strided_slice %transpose3A_142 {offsets = [0, 0], sizes = [32, 128], strides = [1, 1]} : vector<128x128xf32> to vector<32x128xf32>
    %swap3A_144 = arith.constant 0 : index
    %swap3A_145 = arith.constant 0 : index
    %swap3A_146 = arith.constant 2048 : index
    %swap3A_147 = vector.load %arg3[%swap3A_144, %swap3A_145, %swap3A_146] : memref<1x32x16384xf32, #tpu.memory_space<vmem>>, vector<1x32x128xf32>
    %swap3A_148 = vector.shape_cast %swap3A_147 : vector<1x32x128xf32> to vector<32x128xf32>
    %swap3A_149 = vector.shape_cast %slice3A_143 : vector<32x128xf32> to vector<1x32x128xf32>
    tpu.vector_store %arg3[%swap3A_144, %swap3A_145, %swap3A_146], %swap3A_149 {strides = array<i32>} : memref<1x32x16384xf32, #tpu.memory_space<vmem>>, vector<1x32x128xf32>,
    %slice3A_150 = vector.extract_strided_slice %transpose3A_142 {offsets = [32, 0], sizes = [32, 128], strides = [1, 1]} : vector<128x128xf32> to vector<32x128xf32>
    %swap3A_151 = arith.constant 0 : index
    %swap3A_152 = arith.constant 0 : index
    %swap3A_153 = arith.constant 2176 : index
    %swap3A_154 = vector.load %arg3[%swap3A_151, %swap3A_152, %swap3A_153] : memref<1x32x16384xf32, #tpu.memory_space<vmem>>, vector<1x32x128xf32>
    %swap3A_155 = vector.shape_cast %swap3A_154 : vector<1x32x128xf32> to vector<32x128xf32>
    %swap3A_156 = vector.shape_cast %slice3A_150 : vector<32x128xf32> to vector<1x32x128xf32>
    tpu.vector_store %arg3[%swap3A_151, %swap3A_152, %swap3A_153], %swap3A_156 {strides = array<i32>} : memref<1x32x16384xf32, #tpu.memory_space<vmem>>, vector<1x32x128xf32>,
    %slice3A_157 = vector.extract_strided_slice %transpose3A_142 {offsets = [64, 0], sizes = [32, 128], strides = [1, 1]} : vector<128x128xf32> to vector<32x128xf32>
    %swap3A_158 = arith.constant 0 : index
    %swap3A_159 = arith.constant 0 : index
    %swap3A_160 = arith.constant 2304 : index
    %swap3A_161 = vector.load %arg3[%swap3A_158, %swap3A_159, %swap3A_160] : memref<1x32x16384xf32, #tpu.memory_space<vmem>>, vector<1x32x128xf32>
    %swap3A_162 = vector.shape_cast %swap3A_161 : vector<1x32x128xf32> to vector<32x128xf32>
    %swap3A_163 = vector.shape_cast %slice3A_157 : vector<32x128xf32> to vector<1x32x128xf32>
    tpu.vector_store %arg3[%swap3A_158, %swap3A_159, %swap3A_160], %swap3A_163 {strides = array<i32>} : memref<1x32x16384xf32, #tpu.memory_space<vmem>>, vector<1x32x128xf32>,
    %slice3A_164 = vector.extract_strided_slice %transpose3A_142 {offsets = [96, 0], sizes = [32, 128], strides = [1, 1]} : vector<128x128xf32> to vector<32x128xf32>
    %swap3A_165 = arith.constant 0 : index
    %swap3A_166 = arith.constant 0 : index
    %swap3A_167 = arith.constant 2432 : index
    %swap3A_168 = vector.load %arg3[%swap3A_165, %swap3A_166, %swap3A_167] : memref<1x32x16384xf32, #tpu.memory_space<vmem>>, vector<1x32x128xf32>
    %swap3A_169 = vector.shape_cast %swap3A_168 : vector<1x32x128xf32> to vector<32x128xf32>
    %swap3A_170 = vector.shape_cast %slice3A_164 : vector<32x128xf32> to vector<1x32x128xf32>
    tpu.vector_store %arg3[%swap3A_165, %swap3A_166, %swap3A_167], %swap3A_170 {strides = array<i32>} : memref<1x32x16384xf32, #tpu.memory_space<vmem>>, vector<1x32x128xf32>,
    %get3A_171 = arith.constant 0 : index
    %get3A_172 = arith.constant 5 : index
    %get3A_173 = arith.constant 0 : index
    %get3A_174 = arith.constant 0 : index
    %get3A_175 = vector.load %arg2[%get3A_171, %get3A_172, %get3A_173, %get3A_174] : memref<1x32x128x128xf32, #tpu.memory_space<vmem>>, vector<1x1x128x128xf32>
    %get3A_176 = vector.shape_cast %get3A_175 : vector<1x1x128x128xf32> to vector<128x128xf32>
    %transpose3A_177 = tpu.transpose %get3A_176, [1, 0] : vector<128x128xf32> -> vector<128x128xf32>
    %slice3A_178 = vector.extract_strided_slice %transpose3A_177 {offsets = [0, 0], sizes = [32, 128], strides = [1, 1]} : vector<128x128xf32> to vector<32x128xf32>
    %swap3A_179 = arith.constant 0 : index
    %swap3A_180 = arith.constant 0 : index
    %swap3A_181 = arith.constant 2560 : index
    %swap3A_182 = vector.load %arg3[%swap3A_179, %swap3A_180, %swap3A_181] : memref<1x32x16384xf32, #tpu.memory_space<vmem>>, vector<1x32x128xf32>
    %swap3A_183 = vector.shape_cast %swap3A_182 : vector<1x32x128xf32> to vector<32x128xf32>
    %swap3A_184 = vector.shape_cast %slice3A_178 : vector<32x128xf32> to vector<1x32x128xf32>
    tpu.vector_store %arg3[%swap3A_179, %swap3A_180, %swap3A_181], %swap3A_184 {strides = array<i32>} : memref<1x32x16384xf32, #tpu.memory_space<vmem>>, vector<1x32x128xf32>,
    %slice3A_185 = vector.extract_strided_slice %transpose3A_177 {offsets = [32, 0], sizes = [32, 128], strides = [1, 1]} : vector<128x128xf32> to vector<32x128xf32>
    %swap3A_186 = arith.constant 0 : index
    %swap3A_187 = arith.constant 0 : index
    %swap3A_188 = arith.constant 2688 : index
    %swap3A_189 = vector.load %arg3[%swap3A_186, %swap3A_187, %swap3A_188] : memref<1x32x16384xf32, #tpu.memory_space<vmem>>, vector<1x32x128xf32>
    %swap3A_190 = vector.shape_cast %swap3A_189 : vector<1x32x128xf32> to vector<32x128xf32>
    %swap3A_191 = vector.shape_cast %slice3A_185 : vector<32x128xf32> to vector<1x32x128xf32>
    tpu.vector_store %arg3[%swap3A_186, %swap3A_187, %swap3A_188], %swap3A_191 {strides = array<i32>} : memref<1x32x16384xf32, #tpu.memory_space<vmem>>, vector<1x32x128xf32>,
    %slice3A_192 = vector.extract_strided_slice %transpose3A_177 {offsets = [64, 0], sizes = [32, 128], strides = [1, 1]} : vector<128x128xf32> to vector<32x128xf32>
    %swap3A_193 = arith.constant 0 : index
    %swap3A_194 = arith.constant 0 : index
    %swap3A_195 = arith.constant 2816 : index
    %swap3A_196 = vector.load %arg3[%swap3A_193, %swap3A_194, %swap3A_195] : memref<1x32x16384xf32, #tpu.memory_space<vmem>>, vector<1x32x128xf32>
    %swap3A_197 = vector.shape_cast %swap3A_196 : vector<1x32x128xf32> to vector<32x128xf32>
    %swap3A_198 = vector.shape_cast %slice3A_192 : vector<32x128xf32> to vector<1x32x128xf32>
    tpu.vector_store %arg3[%swap3A_193, %swap3A_194, %swap3A_195], %swap3A_198 {strides = array<i32>} : memref<1x32x16384xf32, #tpu.memory_space<vmem>>, vector<1x32x128xf32>,
    %slice3A_199 = vector.extract_strided_slice %transpose3A_177 {offsets = [96, 0], sizes = [32, 128], strides = [1, 1]} : vector<128x128xf32> to vector<32x128xf32>
    %swap3A_200 = arith.constant 0 : index
    %swap3A_201 = arith.constant 0 : index
    %swap3A_202 = arith.constant 2944 : index
    %swap3A_203 = vector.load %arg3[%swap3A_200, %swap3A_201, %swap3A_202] : memref<1x32x16384xf32, #tpu.memory_space<vmem>>, vector<1x32x128xf32>
    %swap3A_204 = vector.shape_cast %swap3A_203 : vector<1x32x128xf32> to vector<32x128xf32>
    %swap3A_205 = vector.shape_cast %slice3A_199 : vector<32x128xf32> to vector<1x32x128xf32>
    tpu.vector_store %arg3[%swap3A_200, %swap3A_201, %swap3A_202], %swap3A_205 {strides = array<i32>} : memref<1x32x16384xf32, #tpu.memory_space<vmem>>, vector<1x32x128xf32>,
    %get3A_206 = arith.constant 0 : index
    %get3A_207 = arith.constant 6 : index
    %get3A_208 = arith.constant 0 : index
    %get3A_209 = arith.constant 0 : index
    %get3A_210 = vector.load %arg2[%get3A_206, %get3A_207, %get3A_208, %get3A_209] : memref<1x32x128x128xf32, #tpu.memory_space<vmem>>, vector<1x1x128x128xf32>
    %get3A_211 = vector.shape_cast %get3A_210 : vector<1x1x128x128xf32> to vector<128x128xf32>
    %transpose3A_212 = tpu.transpose %get3A_211, [1, 0] : vector<128x128xf32> -> vector<128x128xf32>
    %slice3A_213 = vector.extract_strided_slice %transpose3A_212 {offsets = [0, 0], sizes = [32, 128], strides = [1, 1]} : vector<128x128xf32> to vector<32x128xf32>
    %swap3A_214 = arith.constant 0 : index
    %swap3A_215 = arith.constant 0 : index
    %swap3A_216 = arith.constant 3072 : index
    %swap3A_217 = vector.load %arg3[%swap3A_214, %swap3A_215, %swap3A_216] : memref<1x32x16384xf32, #tpu.memory_space<vmem>>, vector<1x32x128xf32>
    %swap3A_218 = vector.shape_cast %swap3A_217 : vector<1x32x128xf32> to vector<32x128xf32>
    %swap3A_219 = vector.shape_cast %slice3A_213 : vector<32x128xf32> to vector<1x32x128xf32>
    tpu.vector_store %arg3[%swap3A_214, %swap3A_215, %swap3A_216], %swap3A_219 {strides = array<i32>} : memref<1x32x16384xf32, #tpu.memory_space<vmem>>, vector<1x32x128xf32>,
    %slice3A_220 = vector.extract_strided_slice %transpose3A_212 {offsets = [32, 0], sizes = [32, 128], strides = [1, 1]} : vector<128x128xf32> to vector<32x128xf32>
    %swap3A_221 = arith.constant 0 : index
    %swap3A_222 = arith.constant 0 : index
    %swap3A_223 = arith.constant 3200 : index
    %swap3A_224 = vector.load %arg3[%swap3A_221, %swap3A_222, %swap3A_223] : memref<1x32x16384xf32, #tpu.memory_space<vmem>>, vector<1x32x128xf32>
    %swap3A_225 = vector.shape_cast %swap3A_224 : vector<1x32x128xf32> to vector<32x128xf32>
    %swap3A_226 = vector.shape_cast %slice3A_220 : vector<32x128xf32> to vector<1x32x128xf32>
    tpu.vector_store %arg3[%swap3A_221, %swap3A_222, %swap3A_223], %swap3A_226 {strides = array<i32>} : memref<1x32x16384xf32, #tpu.memory_space<vmem>>, vector<1x32x128xf32>,
    %slice3A_227 = vector.extract_strided_slice %transpose3A_212 {offsets = [64, 0], sizes = [32, 128], strides = [1, 1]} : vector<128x128xf32> to vector<32x128xf32>
    %swap3A_228 = arith.constant 0 : index
    %swap3A_229 = arith.constant 0 : index
    %swap3A_230 = arith.constant 3328 : index
    %swap3A_231 = vector.load %arg3[%swap3A_228, %swap3A_229, %swap3A_230] : memref<1x32x16384xf32, #tpu.memory_space<vmem>>, vector<1x32x128xf32>
    %swap3A_232 = vector.shape_cast %swap3A_231 : vector<1x32x128xf32> to vector<32x128xf32>
    %swap3A_233 = vector.shape_cast %slice3A_227 : vector<32x128xf32> to vector<1x32x128xf32>
    tpu.vector_store %arg3[%swap3A_228, %swap3A_229, %swap3A_230], %swap3A_233 {strides = array<i32>} : memref<1x32x16384xf32, #tpu.memory_space<vmem>>, vector<1x32x128xf32>,
    %slice3A_234 = vector.extract_strided_slice %transpose3A_212 {offsets = [96, 0], sizes = [32, 128], strides = [1, 1]} : vector<128x128xf32> to vector<32x128xf32>
    %swap3A_235 = arith.constant 0 : index
    %swap3A_236 = arith.constant 0 : index
    %swap3A_237 = arith.constant 3456 : index
    %swap3A_238 = vector.load %arg3[%swap3A_235, %swap3A_236, %swap3A_237] : memref<1x32x16384xf32, #tpu.memory_space<vmem>>, vector<1x32x128xf32>
    %swap3A_239 = vector.shape_cast %swap3A_238 : vector<1x32x128xf32> to vector<32x128xf32>
    %swap3A_240 = vector.shape_cast %slice3A_234 : vector<32x128xf32> to vector<1x32x128xf32>
    tpu.vector_store %arg3[%swap3A_235, %swap3A_236, %swap3A_237], %swap3A_240 {strides = array<i32>} : memref<1x32x16384xf32, #tpu.memory_space<vmem>>, vector<1x32x128xf32>,
    %get3A_241 = arith.constant 0 : index
    %get3A_242 = arith.constant 7 : index
    %get3A_243 = arith.constant 0 : index
    %get3A_244 = arith.constant 0 : index
    %get3A_245 = vector.load %arg2[%get3A_241, %get3A_242, %get3A_243, %get3A_244] : memref<1x32x128x128xf32, #tpu.memory_space<vmem>>, vector<1x1x128x128xf32>
    %get3A_246 = vector.shape_cast %get3A_245 : vector<1x1x128x128xf32> to vector<128x128xf32>
    %transpose3A_247 = tpu.transpose %get3A_246, [1, 0] : vector<128x128xf32> -> vector<128x128xf32>
    %slice3A_248 = vector.extract_strided_slice %transpose3A_247 {offsets = [0, 0], sizes = [32, 128], strides = [1, 1]} : vector<128x128xf32> to vector<32x128xf32>
    %swap3A_249 = arith.constant 0 : index
    %swap3A_250 = arith.constant 0 : index
    %swap3A_251 = arith.constant 3584 : index
    %swap3A_252 = vector.load %arg3[%swap3A_249, %swap3A_250, %swap3A_251] : memref<1x32x16384xf32, #tpu.memory_space<vmem>>, vector<1x32x128xf32>
    %swap3A_253 = vector.shape_cast %swap3A_252 : vector<1x32x128xf32> to vector<32x128xf32>
    %swap3A_254 = vector.shape_cast %slice3A_248 : vector<32x128xf32> to vector<1x32x128xf32>
    tpu.vector_store %arg3[%swap3A_249, %swap3A_250, %swap3A_251], %swap3A_254 {strides = array<i32>} : memref<1x32x16384xf32, #tpu.memory_space<vmem>>, vector<1x32x128xf32>,
    %slice3A_255 = vector.extract_strided_slice %transpose3A_247 {offsets = [32, 0], sizes = [32, 128], strides = [1, 1]} : vector<128x128xf32> to vector<32x128xf32>
    %swap3A_256 = arith.constant 0 : index
    %swap3A_257 = arith.constant 0 : index
    %swap3A_258 = arith.constant 3712 : index
    %swap3A_259 = vector.load %arg3[%swap3A_256, %swap3A_257, %swap3A_258] : memref<1x32x16384xf32, #tpu.memory_space<vmem>>, vector<1x32x128xf32>
    %swap3A_260 = vector.shape_cast %swap3A_259 : vector<1x32x128xf32> to vector<32x128xf32>
    %swap3A_261 = vector.shape_cast %slice3A_255 : vector<32x128xf32> to vector<1x32x128xf32>
    tpu.vector_store %arg3[%swap3A_256, %swap3A_257, %swap3A_258], %swap3A_261 {strides = array<i32>} : memref<1x32x16384xf32, #tpu.memory_space<vmem>>, vector<1x32x128xf32>,
    %slice3A_262 = vector.extract_strided_slice %transpose3A_247 {offsets = [64, 0], sizes = [32, 128], strides = [1, 1]} : vector<128x128xf32> to vector<32x128xf32>
    %swap3A_263 = arith.constant 0 : index
    %swap3A_264 = arith.constant 0 : index
    %swap3A_265 = arith.constant 3840 : index
    %swap3A_266 = vector.load %arg3[%swap3A_263, %swap3A_264, %swap3A_265] : memref<1x32x16384xf32, #tpu.memory_space<vmem>>, vector<1x32x128xf32>
    %swap3A_267 = vector.shape_cast %swap3A_266 : vector<1x32x128xf32> to vector<32x128xf32>
    %swap3A_268 = vector.shape_cast %slice3A_262 : vector<32x128xf32> to vector<1x32x128xf32>
    tpu.vector_store %arg3[%swap3A_263, %swap3A_264, %swap3A_265], %swap3A_268 {strides = array<i32>} : memref<1x32x16384xf32, #tpu.memory_space<vmem>>, vector<1x32x128xf32>,
    %slice3A_269 = vector.extract_strided_slice %transpose3A_247 {offsets = [96, 0], sizes = [32, 128], strides = [1, 1]} : vector<128x128xf32> to vector<32x128xf32>
    %swap3A_270 = arith.constant 0 : index
    %swap3A_271 = arith.constant 0 : index
    %swap3A_272 = arith.constant 3968 : index
    %swap3A_273 = vector.load %arg3[%swap3A_270, %swap3A_271, %swap3A_272] : memref<1x32x16384xf32, #tpu.memory_space<vmem>>, vector<1x32x128xf32>
    %swap3A_274 = vector.shape_cast %swap3A_273 : vector<1x32x128xf32> to vector<32x128xf32>
    %swap3A_275 = vector.shape_cast %slice3A_269 : vector<32x128xf32> to vector<1x32x128xf32>
    tpu.vector_store %arg3[%swap3A_270, %swap3A_271, %swap3A_272], %swap3A_275 {strides = array<i32>} : memref<1x32x16384xf32, #tpu.memory_space<vmem>>, vector<1x32x128xf32>,
    %get3A_276 = arith.constant 0 : index
    %get3A_277 = arith.constant 8 : index
    %get3A_278 = arith.constant 0 : index
    %get3A_279 = arith.constant 0 : index
    %get3A_280 = vector.load %arg2[%get3A_276, %get3A_277, %get3A_278, %get3A_279] : memref<1x32x128x128xf32, #tpu.memory_space<vmem>>, vector<1x1x128x128xf32>
    %get3A_281 = vector.shape_cast %get3A_280 : vector<1x1x128x128xf32> to vector<128x128xf32>
    %transpose3A_282 = tpu.transpose %get3A_281, [1, 0] : vector<128x128xf32> -> vector<128x128xf32>
    %slice3A_283 = vector.extract_strided_slice %transpose3A_282 {offsets = [0, 0], sizes = [32, 128], strides = [1, 1]} : vector<128x128xf32> to vector<32x128xf32>
    %swap3A_284 = arith.constant 0 : index
    %swap3A_285 = arith.constant 0 : index
    %swap3A_286 = arith.constant 4096 : index
    %swap3A_287 = vector.load %arg3[%swap3A_284, %swap3A_285, %swap3A_286] : memref<1x32x16384xf32, #tpu.memory_space<vmem>>, vector<1x32x128xf32>
    %swap3A_288 = vector.shape_cast %swap3A_287 : vector<1x32x128xf32> to vector<32x128xf32>
    %swap3A_289 = vector.shape_cast %slice3A_283 : vector<32x128xf32> to vector<1x32x128xf32>
    tpu.vector_store %arg3[%swap3A_284, %swap3A_285, %swap3A_286], %swap3A_289 {strides = array<i32>} : memref<1x32x16384xf32, #tpu.memory_space<vmem>>, vector<1x32x128xf32>,
    %slice3A_290 = vector.extract_strided_slice %transpose3A_282 {offsets = [32, 0], sizes = [32, 128], strides = [1, 1]} : vector<128x128xf32> to vector<32x128xf32>
    %swap3A_291 = arith.constant 0 : index
    %swap3A_292 = arith.constant 0 : index
    %swap3A_293 = arith.constant 4224 : index
    %swap3A_294 = vector.load %arg3[%swap3A_291, %swap3A_292, %swap3A_293] : memref<1x32x16384xf32, #tpu.memory_space<vmem>>, vector<1x32x128xf32>
    %swap3A_295 = vector.shape_cast %swap3A_294 : vector<1x32x128xf32> to vector<32x128xf32>
    %swap3A_296 = vector.shape_cast %slice3A_290 : vector<32x128xf32> to vector<1x32x128xf32>
    tpu.vector_store %arg3[%swap3A_291, %swap3A_292, %swap3A_293], %swap3A_296 {strides = array<i32>} : memref<1x32x16384xf32, #tpu.memory_space<vmem>>, vector<1x32x128xf32>,
    %slice3A_297 = vector.extract_strided_slice %transpose3A_282 {offsets = [64, 0], sizes = [32, 128], strides = [1, 1]} : vector<128x128xf32> to vector<32x128xf32>
    %swap3A_298 = arith.constant 0 : index
    %swap3A_299 = arith.constant 0 : index
    %swap3A_300 = arith.constant 4352 : index
    %swap3A_301 = vector.load %arg3[%swap3A_298, %swap3A_299, %swap3A_300] : memref<1x32x16384xf32, #tpu.memory_space<vmem>>, vector<1x32x128xf32>
    %swap3A_302 = vector.shape_cast %swap3A_301 : vector<1x32x128xf32> to vector<32x128xf32>
    %swap3A_303 = vector.shape_cast %slice3A_297 : vector<32x128xf32> to vector<1x32x128xf32>
    tpu.vector_store %arg3[%swap3A_298, %swap3A_299, %swap3A_300], %swap3A_303 {strides = array<i32>} : memref<1x32x16384xf32, #tpu.memory_space<vmem>>, vector<1x32x128xf32>,
    %slice3A_304 = vector.extract_strided_slice %transpose3A_282 {offsets = [96, 0], sizes = [32, 128], strides = [1, 1]} : vector<128x128xf32> to vector<32x128xf32>
    %swap3A_305 = arith.constant 0 : index
    %swap3A_306 = arith.constant 0 : index
    %swap3A_307 = arith.constant 4480 : index
    %swap3A_308 = vector.load %arg3[%swap3A_305, %swap3A_306, %swap3A_307] : memref<1x32x16384xf32, #tpu.memory_space<vmem>>, vector<1x32x128xf32>
    %swap3A_309 = vector.shape_cast %swap3A_308 : vector<1x32x128xf32> to vector<32x128xf32>
    %swap3A_310 = vector.shape_cast %slice3A_304 : vector<32x128xf32> to vector<1x32x128xf32>
    tpu.vector_store %arg3[%swap3A_305, %swap3A_306, %swap3A_307], %swap3A_310 {strides = array<i32>} : memref<1x32x16384xf32, #tpu.memory_space<vmem>>, vector<1x32x128xf32>,
    %get3A_311 = arith.constant 0 : index
    %get3A_312 = arith.constant 9 : index
    %get3A_313 = arith.constant 0 : index
    %get3A_314 = arith.constant 0 : index
    %get3A_315 = vector.load %arg2[%get3A_311, %get3A_312, %get3A_313, %get3A_314] : memref<1x32x128x128xf32, #tpu.memory_space<vmem>>, vector<1x1x128x128xf32>
    %get3A_316 = vector.shape_cast %get3A_315 : vector<1x1x128x128xf32> to vector<128x128xf32>
    %transpose3A_317 = tpu.transpose %get3A_316, [1, 0] : vector<128x128xf32> -> vector<128x128xf32>
    %slice3A_318 = vector.extract_strided_slice %transpose3A_317 {offsets = [0, 0], sizes = [32, 128], strides = [1, 1]} : vector<128x128xf32> to vector<32x128xf32>
    %swap3A_319 = arith.constant 0 : index
    %swap3A_320 = arith.constant 0 : index
    %swap3A_321 = arith.constant 4608 : index
    %swap3A_322 = vector.load %arg3[%swap3A_319, %swap3A_320, %swap3A_321] : memref<1x32x16384xf32, #tpu.memory_space<vmem>>, vector<1x32x128xf32>
    %swap3A_323 = vector.shape_cast %swap3A_322 : vector<1x32x128xf32> to vector<32x128xf32>
    %swap3A_324 = vector.shape_cast %slice3A_318 : vector<32x128xf32> to vector<1x32x128xf32>
    tpu.vector_store %arg3[%swap3A_319, %swap3A_320, %swap3A_321], %swap3A_324 {strides = array<i32>} : memref<1x32x16384xf32, #tpu.memory_space<vmem>>, vector<1x32x128xf32>,
    %slice3A_325 = vector.extract_strided_slice %transpose3A_317 {offsets = [32, 0], sizes = [32, 128], strides = [1, 1]} : vector<128x128xf32> to vector<32x128xf32>
    %swap3A_326 = arith.constant 0 : index
    %swap3A_327 = arith.constant 0 : index
    %swap3A_328 = arith.constant 4736 : index
    %swap3A_329 = vector.load %arg3[%swap3A_326, %swap3A_327, %swap3A_328] : memref<1x32x16384xf32, #tpu.memory_space<vmem>>, vector<1x32x128xf32>
    %swap3A_330 = vector.shape_cast %swap3A_329 : vector<1x32x128xf32> to vector<32x128xf32>
    %swap3A_331 = vector.shape_cast %slice3A_325 : vector<32x128xf32> to vector<1x32x128xf32>
    tpu.vector_store %arg3[%swap3A_326, %swap3A_327, %swap3A_328], %swap3A_331 {strides = array<i32>} : memref<1x32x16384xf32, #tpu.memory_space<vmem>>, vector<1x32x128xf32>,
    %slice3A_332 = vector.extract_strided_slice %transpose3A_317 {offsets = [64, 0], sizes = [32, 128], strides = [1, 1]} : vector<128x128xf32> to vector<32x128xf32>
    %swap3A_333 = arith.constant 0 : index
    %swap3A_334 = arith.constant 0 : index
    %swap3A_335 = arith.constant 4864 : index
    %swap3A_336 = vector.load %arg3[%swap3A_333, %swap3A_334, %swap3A_335] : memref<1x32x16384xf32, #tpu.memory_space<vmem>>, vector<1x32x128xf32>
    %swap3A_337 = vector.shape_cast %swap3A_336 : vector<1x32x128xf32> to vector<32x128xf32>
    %swap3A_338 = vector.shape_cast %slice3A_332 : vector<32x128xf32> to vector<1x32x128xf32>
    tpu.vector_store %arg3[%swap3A_333, %swap3A_334, %swap3A_335], %swap3A_338 {strides = array<i32>} : memref<1x32x16384xf32, #tpu.memory_space<vmem>>, vector<1x32x128xf32>,
    %slice3A_339 = vector.extract_strided_slice %transpose3A_317 {offsets = [96, 0], sizes = [32, 128], strides = [1, 1]} : vector<128x128xf32> to vector<32x128xf32>
    %swap3A_340 = arith.constant 0 : index
    %swap3A_341 = arith.constant 0 : index
    %swap3A_342 = arith.constant 4992 : index
    %swap3A_343 = vector.load %arg3[%swap3A_340, %swap3A_341, %swap3A_342] : memref<1x32x16384xf32, #tpu.memory_space<vmem>>, vector<1x32x128xf32>
    %swap3A_344 = vector.shape_cast %swap3A_343 : vector<1x32x128xf32> to vector<32x128xf32>
    %swap3A_345 = vector.shape_cast %slice3A_339 : vector<32x128xf32> to vector<1x32x128xf32>
    tpu.vector_store %arg3[%swap3A_340, %swap3A_341, %swap3A_342], %swap3A_345 {strides = array<i32>} : memref<1x32x16384xf32, #tpu.memory_space<vmem>>, vector<1x32x128xf32>,
    %get3A_346 = arith.constant 0 : index
    %get3A_347 = arith.constant 10 : index
    %get3A_348 = arith.constant 0 : index
    %get3A_349 = arith.constant 0 : index
    %get3A_350 = vector.load %arg2[%get3A_346, %get3A_347, %get3A_348, %get3A_349] : memref<1x32x128x128xf32, #tpu.memory_space<vmem>>, vector<1x1x128x128xf32>
    %get3A_351 = vector.shape_cast %get3A_350 : vector<1x1x128x128xf32> to vector<128x128xf32>
    %transpose3A_352 = tpu.transpose %get3A_351, [1, 0] : vector<128x128xf32> -> vector<128x128xf32>
    %slice3A_353 = vector.extract_strided_slice %transpose3A_352 {offsets = [0, 0], sizes = [32, 128], strides = [1, 1]} : vector<128x128xf32> to vector<32x128xf32>
    %swap3A_354 = arith.constant 0 : index
    %swap3A_355 = arith.constant 0 : index
    %swap3A_356 = arith.constant 5120 : index
    %swap3A_357 = vector.load %arg3[%swap3A_354, %swap3A_355, %swap3A_356] : memref<1x32x16384xf32, #tpu.memory_space<vmem>>, vector<1x32x128xf32>
    %swap3A_358 = vector.shape_cast %swap3A_357 : vector<1x32x128xf32> to vector<32x128xf32>
    %swap3A_359 = vector.shape_cast %slice3A_353 : vector<32x128xf32> to vector<1x32x128xf32>
    tpu.vector_store %arg3[%swap3A_354, %swap3A_355, %swap3A_356], %swap3A_359 {strides = array<i32>} : memref<1x32x16384xf32, #tpu.memory_space<vmem>>, vector<1x32x128xf32>,
    %slice3A_360 = vector.extract_strided_slice %transpose3A_352 {offsets = [32, 0], sizes = [32, 128], strides = [1, 1]} : vector<128x128xf32> to vector<32x128xf32>
    %swap3A_361 = arith.constant 0 : index
    %swap3A_362 = arith.constant 0 : index
    %swap3A_363 = arith.constant 5248 : index
    %swap3A_364 = vector.load %arg3[%swap3A_361, %swap3A_362, %swap3A_363] : memref<1x32x16384xf32, #tpu.memory_space<vmem>>, vector<1x32x128xf32>
    %swap3A_365 = vector.shape_cast %swap3A_364 : vector<1x32x128xf32> to vector<32x128xf32>
    %swap3A_366 = vector.shape_cast %slice3A_360 : vector<32x128xf32> to vector<1x32x128xf32>
    tpu.vector_store %arg3[%swap3A_361, %swap3A_362, %swap3A_363], %swap3A_366 {strides = array<i32>} : memref<1x32x16384xf32, #tpu.memory_space<vmem>>, vector<1x32x128xf32>,
    %slice3A_367 = vector.extract_strided_slice %transpose3A_352 {offsets = [64, 0], sizes = [32, 128], strides = [1, 1]} : vector<128x128xf32> to vector<32x128xf32>
    %swap3A_368 = arith.constant 0 : index
    %swap3A_369 = arith.constant 0 : index
    %swap3A_370 = arith.constant 5376 : index
    %swap3A_371 = vector.load %arg3[%swap3A_368, %swap3A_369, %swap3A_370] : memref<1x32x16384xf32, #tpu.memory_space<vmem>>, vector<1x32x128xf32>
    %swap3A_372 = vector.shape_cast %swap3A_371 : vector<1x32x128xf32> to vector<32x128xf32>
    %swap3A_373 = vector.shape_cast %slice3A_367 : vector<32x128xf32> to vector<1x32x128xf32>
    tpu.vector_store %arg3[%swap3A_368, %swap3A_369, %swap3A_370], %swap3A_373 {strides = array<i32>} : memref<1x32x16384xf32, #tpu.memory_space<vmem>>, vector<1x32x128xf32>,
    %slice3A_374 = vector.extract_strided_slice %transpose3A_352 {offsets = [96, 0], sizes = [32, 128], strides = [1, 1]} : vector<128x128xf32> to vector<32x128xf32>
    %swap3A_375 = arith.constant 0 : index
    %swap3A_376 = arith.constant 0 : index
    %swap3A_377 = arith.constant 5504 : index
    %swap3A_378 = vector.load %arg3[%swap3A_375, %swap3A_376, %swap3A_377] : memref<1x32x16384xf32, #tpu.memory_space<vmem>>, vector<1x32x128xf32>
    %swap3A_379 = vector.shape_cast %swap3A_378 : vector<1x32x128xf32> to vector<32x128xf32>
    %swap3A_380 = vector.shape_cast %slice3A_374 : vector<32x128xf32> to vector<1x32x128xf32>
    tpu.vector_store %arg3[%swap3A_375, %swap3A_376, %swap3A_377], %swap3A_380 {strides = array<i32>} : memref<1x32x16384xf32, #tpu.memory_space<vmem>>, vector<1x32x128xf32>,
    %get3A_381 = arith.constant 0 : index
    %get3A_382 = arith.constant 11 : index
    %get3A_383 = arith.constant 0 : index
    %get3A_384 = arith.constant 0 : index
    %get3A_385 = vector.load %arg2[%get3A_381, %get3A_382, %get3A_383, %get3A_384] : memref<1x32x128x128xf32, #tpu.memory_space<vmem>>, vector<1x1x128x128xf32>
    %get3A_386 = vector.shape_cast %get3A_385 : vector<1x1x128x128xf32> to vector<128x128xf32>
    %transpose3A_387 = tpu.transpose %get3A_386, [1, 0] : vector<128x128xf32> -> vector<128x128xf32>
    %slice3A_388 = vector.extract_strided_slice %transpose3A_387 {offsets = [0, 0], sizes = [32, 128], strides = [1, 1]} : vector<128x128xf32> to vector<32x128xf32>
    %swap3A_389 = arith.constant 0 : index
    %swap3A_390 = arith.constant 0 : index
    %swap3A_391 = arith.constant 5632 : index
    %swap3A_392 = vector.load %arg3[%swap3A_389, %swap3A_390, %swap3A_391] : memref<1x32x16384xf32, #tpu.memory_space<vmem>>, vector<1x32x128xf32>
    %swap3A_393 = vector.shape_cast %swap3A_392 : vector<1x32x128xf32> to vector<32x128xf32>
    %swap3A_394 = vector.shape_cast %slice3A_388 : vector<32x128xf32> to vector<1x32x128xf32>
    tpu.vector_store %arg3[%swap3A_389, %swap3A_390, %swap3A_391], %swap3A_394 {strides = array<i32>} : memref<1x32x16384xf32, #tpu.memory_space<vmem>>, vector<1x32x128xf32>,
    %slice3A_395 = vector.extract_strided_slice %transpose3A_387 {offsets = [32, 0], sizes = [32, 128], strides = [1, 1]} : vector<128x128xf32> to vector<32x128xf32>
    %swap3A_396 = arith.constant 0 : index
    %swap3A_397 = arith.constant 0 : index
    %swap3A_398 = arith.constant 5760 : index
    %swap3A_399 = vector.load %arg3[%swap3A_396, %swap3A_397, %swap3A_398] : memref<1x32x16384xf32, #tpu.memory_space<vmem>>, vector<1x32x128xf32>
    %swap3A_400 = vector.shape_cast %swap3A_399 : vector<1x32x128xf32> to vector<32x128xf32>
    %swap3A_401 = vector.shape_cast %slice3A_395 : vector<32x128xf32> to vector<1x32x128xf32>
    tpu.vector_store %arg3[%swap3A_396, %swap3A_397, %swap3A_398], %swap3A_401 {strides = array<i32>} : memref<1x32x16384xf32, #tpu.memory_space<vmem>>, vector<1x32x128xf32>,
    %slice3A_402 = vector.extract_strided_slice %transpose3A_387 {offsets = [64, 0], sizes = [32, 128], strides = [1, 1]} : vector<128x128xf32> to vector<32x128xf32>
    %swap3A_403 = arith.constant 0 : index
    %swap3A_404 = arith.constant 0 : index
    %swap3A_405 = arith.constant 5888 : index
    %swap3A_406 = vector.load %arg3[%swap3A_403, %swap3A_404, %swap3A_405] : memref<1x32x16384xf32, #tpu.memory_space<vmem>>, vector<1x32x128xf32>
    %swap3A_407 = vector.shape_cast %swap3A_406 : vector<1x32x128xf32> to vector<32x128xf32>
    %swap3A_408 = vector.shape_cast %slice3A_402 : vector<32x128xf32> to vector<1x32x128xf32>
    tpu.vector_store %arg3[%swap3A_403, %swap3A_404, %swap3A_405], %swap3A_408 {strides = array<i32>} : memref<1x32x16384xf32, #tpu.memory_space<vmem>>, vector<1x32x128xf32>,
    %slice3A_409 = vector.extract_strided_slice %transpose3A_387 {offsets = [96, 0], sizes = [32, 128], strides = [1, 1]} : vector<128x128xf32> to vector<32x128xf32>
    %swap3A_410 = arith.constant 0 : index
    %swap3A_411 = arith.constant 0 : index
    %swap3A_412 = arith.constant 6016 : index
    %swap3A_413 = vector.load %arg3[%swap3A_410, %swap3A_411, %swap3A_412] : memref<1x32x16384xf32, #tpu.memory_space<vmem>>, vector<1x32x128xf32>
    %swap3A_414 = vector.shape_cast %swap3A_413 : vector<1x32x128xf32> to vector<32x128xf32>
    %swap3A_415 = vector.shape_cast %slice3A_409 : vector<32x128xf32> to vector<1x32x128xf32>
    tpu.vector_store %arg3[%swap3A_410, %swap3A_411, %swap3A_412], %swap3A_415 {strides = array<i32>} : memref<1x32x16384xf32, #tpu.memory_space<vmem>>, vector<1x32x128xf32>,
    %get3A_416 = arith.constant 0 : index
    %get3A_417 = arith.constant 12 : index
    %get3A_418 = arith.constant 0 : index
    %get3A_419 = arith.constant 0 : index
    %get3A_420 = vector.load %arg2[%get3A_416, %get3A_417, %get3A_418, %get3A_419] : memref<1x32x128x128xf32, #tpu.memory_space<vmem>>, vector<1x1x128x128xf32>
    %get3A_421 = vector.shape_cast %get3A_420 : vector<1x1x128x128xf32> to vector<128x128xf32>
    %transpose3A_422 = tpu.transpose %get3A_421, [1, 0] : vector<128x128xf32> -> vector<128x128xf32>
    %slice3A_423 = vector.extract_strided_slice %transpose3A_422 {offsets = [0, 0], sizes = [32, 128], strides = [1, 1]} : vector<128x128xf32> to vector<32x128xf32>
    %swap3A_424 = arith.constant 0 : index
    %swap3A_425 = arith.constant 0 : index
    %swap3A_426 = arith.constant 6144 : index
    %swap3A_427 = vector.load %arg3[%swap3A_424, %swap3A_425, %swap3A_426] : memref<1x32x16384xf32, #tpu.memory_space<vmem>>, vector<1x32x128xf32>
    %swap3A_428 = vector.shape_cast %swap3A_427 : vector<1x32x128xf32> to vector<32x128xf32>
    %swap3A_429 = vector.shape_cast %slice3A_423 : vector<32x128xf32> to vector<1x32x128xf32>
    tpu.vector_store %arg3[%swap3A_424, %swap3A_425, %swap3A_426], %swap3A_429 {strides = array<i32>} : memref<1x32x16384xf32, #tpu.memory_space<vmem>>, vector<1x32x128xf32>,
    %slice3A_430 = vector.extract_strided_slice %transpose3A_422 {offsets = [32, 0], sizes = [32, 128], strides = [1, 1]} : vector<128x128xf32> to vector<32x128xf32>
    %swap3A_431 = arith.constant 0 : index
    %swap3A_432 = arith.constant 0 : index
    %swap3A_433 = arith.constant 6272 : index
    %swap3A_434 = vector.load %arg3[%swap3A_431, %swap3A_432, %swap3A_433] : memref<1x32x16384xf32, #tpu.memory_space<vmem>>, vector<1x32x128xf32>
    %swap3A_435 = vector.shape_cast %swap3A_434 : vector<1x32x128xf32> to vector<32x128xf32>
    %swap3A_436 = vector.shape_cast %slice3A_430 : vector<32x128xf32> to vector<1x32x128xf32>
    tpu.vector_store %arg3[%swap3A_431, %swap3A_432, %swap3A_433], %swap3A_436 {strides = array<i32>} : memref<1x32x16384xf32, #tpu.memory_space<vmem>>, vector<1x32x128xf32>,
    %slice3A_437 = vector.extract_strided_slice %transpose3A_422 {offsets = [64, 0], sizes = [32, 128], strides = [1, 1]} : vector<128x128xf32> to vector<32x128xf32>
    %swap3A_438 = arith.constant 0 : index
    %swap3A_439 = arith.constant 0 : index
    %swap3A_440 = arith.constant 6400 : index
    %swap3A_441 = vector.load %arg3[%swap3A_438, %swap3A_439, %swap3A_440] : memref<1x32x16384xf32, #tpu.memory_space<vmem>>, vector<1x32x128xf32>
    %swap3A_442 = vector.shape_cast %swap3A_441 : vector<1x32x128xf32> to vector<32x128xf32>
    %swap3A_443 = vector.shape_cast %slice3A_437 : vector<32x128xf32> to vector<1x32x128xf32>
    tpu.vector_store %arg3[%swap3A_438, %swap3A_439, %swap3A_440], %swap3A_443 {strides = array<i32>} : memref<1x32x16384xf32, #tpu.memory_space<vmem>>, vector<1x32x128xf32>,
    %slice3A_444 = vector.extract_strided_slice %transpose3A_422 {offsets = [96, 0], sizes = [32, 128], strides = [1, 1]} : vector<128x128xf32> to vector<32x128xf32>
    %swap3A_445 = arith.constant 0 : index
    %swap3A_446 = arith.constant 0 : index
    %swap3A_447 = arith.constant 6528 : index
    %swap3A_448 = vector.load %arg3[%swap3A_445, %swap3A_446, %swap3A_447] : memref<1x32x16384xf32, #tpu.memory_space<vmem>>, vector<1x32x128xf32>
    %swap3A_449 = vector.shape_cast %swap3A_448 : vector<1x32x128xf32> to vector<32x128xf32>
    %swap3A_450 = vector.shape_cast %slice3A_444 : vector<32x128xf32> to vector<1x32x128xf32>
    tpu.vector_store %arg3[%swap3A_445, %swap3A_446, %swap3A_447], %swap3A_450 {strides = array<i32>} : memref<1x32x16384xf32, #tpu.memory_space<vmem>>, vector<1x32x128xf32>,
    %get3A_451 = arith.constant 0 : index
    %get3A_452 = arith.constant 13 : index
    %get3A_453 = arith.constant 0 : index
    %get3A_454 = arith.constant 0 : index
    %get3A_455 = vector.load %arg2[%get3A_451, %get3A_452, %get3A_453, %get3A_454] : memref<1x32x128x128xf32, #tpu.memory_space<vmem>>, vector<1x1x128x128xf32>
    %get3A_456 = vector.shape_cast %get3A_455 : vector<1x1x128x128xf32> to vector<128x128xf32>
    %transpose3A_457 = tpu.transpose %get3A_456, [1, 0] : vector<128x128xf32> -> vector<128x128xf32>
    %slice3A_458 = vector.extract_strided_slice %transpose3A_457 {offsets = [0, 0], sizes = [32, 128], strides = [1, 1]} : vector<128x128xf32> to vector<32x128xf32>
    %swap3A_459 = arith.constant 0 : index
    %swap3A_460 = arith.constant 0 : index
    %swap3A_461 = arith.constant 6656 : index
    %swap3A_462 = vector.load %arg3[%swap3A_459, %swap3A_460, %swap3A_461] : memref<1x32x16384xf32, #tpu.memory_space<vmem>>, vector<1x32x128xf32>
    %swap3A_463 = vector.shape_cast %swap3A_462 : vector<1x32x128xf32> to vector<32x128xf32>
    %swap3A_464 = vector.shape_cast %slice3A_458 : vector<32x128xf32> to vector<1x32x128xf32>
    tpu.vector_store %arg3[%swap3A_459, %swap3A_460, %swap3A_461], %swap3A_464 {strides = array<i32>} : memref<1x32x16384xf32, #tpu.memory_space<vmem>>, vector<1x32x128xf32>,
    %slice3A_465 = vector.extract_strided_slice %transpose3A_457 {offsets = [32, 0], sizes = [32, 128], strides = [1, 1]} : vector<128x128xf32> to vector<32x128xf32>
    %swap3A_466 = arith.constant 0 : index
    %swap3A_467 = arith.constant 0 : index
    %swap3A_468 = arith.constant 6784 : index
    %swap3A_469 = vector.load %arg3[%swap3A_466, %swap3A_467, %swap3A_468] : memref<1x32x16384xf32, #tpu.memory_space<vmem>>, vector<1x32x128xf32>
    %swap3A_470 = vector.shape_cast %swap3A_469 : vector<1x32x128xf32> to vector<32x128xf32>
    %swap3A_471 = vector.shape_cast %slice3A_465 : vector<32x128xf32> to vector<1x32x128xf32>
    tpu.vector_store %arg3[%swap3A_466, %swap3A_467, %swap3A_468], %swap3A_471 {strides = array<i32>} : memref<1x32x16384xf32, #tpu.memory_space<vmem>>, vector<1x32x128xf32>,
    %slice3A_472 = vector.extract_strided_slice %transpose3A_457 {offsets = [64, 0], sizes = [32, 128], strides = [1, 1]} : vector<128x128xf32> to vector<32x128xf32>
    %swap3A_473 = arith.constant 0 : index
    %swap3A_474 = arith.constant 0 : index
    %swap3A_475 = arith.constant 6912 : index
    %swap3A_476 = vector.load %arg3[%swap3A_473, %swap3A_474, %swap3A_475] : memref<1x32x16384xf32, #tpu.memory_space<vmem>>, vector<1x32x128xf32>
    %swap3A_477 = vector.shape_cast %swap3A_476 : vector<1x32x128xf32> to vector<32x128xf32>
    %swap3A_478 = vector.shape_cast %slice3A_472 : vector<32x128xf32> to vector<1x32x128xf32>
    tpu.vector_store %arg3[%swap3A_473, %swap3A_474, %swap3A_475], %swap3A_478 {strides = array<i32>} : memref<1x32x16384xf32, #tpu.memory_space<vmem>>, vector<1x32x128xf32>,
    %slice3A_479 = vector.extract_strided_slice %transpose3A_457 {offsets = [96, 0], sizes = [32, 128], strides = [1, 1]} : vector<128x128xf32> to vector<32x128xf32>
    %swap3A_480 = arith.constant 0 : index
    %swap3A_481 = arith.constant 0 : index
    %swap3A_482 = arith.constant 7040 : index
    %swap3A_483 = vector.load %arg3[%swap3A_480, %swap3A_481, %swap3A_482] : memref<1x32x16384xf32, #tpu.memory_space<vmem>>, vector<1x32x128xf32>
    %swap3A_484 = vector.shape_cast %swap3A_483 : vector<1x32x128xf32> to vector<32x128xf32>
    %swap3A_485 = vector.shape_cast %slice3A_479 : vector<32x128xf32> to vector<1x32x128xf32>
    tpu.vector_store %arg3[%swap3A_480, %swap3A_481, %swap3A_482], %swap3A_485 {strides = array<i32>} : memref<1x32x16384xf32, #tpu.memory_space<vmem>>, vector<1x32x128xf32>,
    %get3A_486 = arith.constant 0 : index
    %get3A_487 = arith.constant 14 : index
    %get3A_488 = arith.constant 0 : index
    %get3A_489 = arith.constant 0 : index
    %get3A_490 = vector.load %arg2[%get3A_486, %get3A_487, %get3A_488, %get3A_489] : memref<1x32x128x128xf32, #tpu.memory_space<vmem>>, vector<1x1x128x128xf32>
    %get3A_491 = vector.shape_cast %get3A_490 : vector<1x1x128x128xf32> to vector<128x128xf32>
    %transpose3A_492 = tpu.transpose %get3A_491, [1, 0] : vector<128x128xf32> -> vector<128x128xf32>
    %slice3A_493 = vector.extract_strided_slice %transpose3A_492 {offsets = [0, 0], sizes = [32, 128], strides = [1, 1]} : vector<128x128xf32> to vector<32x128xf32>
    %swap3A_494 = arith.constant 0 : index
    %swap3A_495 = arith.constant 0 : index
    %swap3A_496 = arith.constant 7168 : index
    %swap3A_497 = vector.load %arg3[%swap3A_494, %swap3A_495, %swap3A_496] : memref<1x32x16384xf32, #tpu.memory_space<vmem>>, vector<1x32x128xf32>
    %swap3A_498 = vector.shape_cast %swap3A_497 : vector<1x32x128xf32> to vector<32x128xf32>
    %swap3A_499 = vector.shape_cast %slice3A_493 : vector<32x128xf32> to vector<1x32x128xf32>
    tpu.vector_store %arg3[%swap3A_494, %swap3A_495, %swap3A_496], %swap3A_499 {strides = array<i32>} : memref<1x32x16384xf32, #tpu.memory_space<vmem>>, vector<1x32x128xf32>,
    %slice3A_500 = vector.extract_strided_slice %transpose3A_492 {offsets = [32, 0], sizes = [32, 128], strides = [1, 1]} : vector<128x128xf32> to vector<32x128xf32>
    %swap3A_501 = arith.constant 0 : index
    %swap3A_502 = arith.constant 0 : index
    %swap3A_503 = arith.constant 7296 : index
    %swap3A_504 = vector.load %arg3[%swap3A_501, %swap3A_502, %swap3A_503] : memref<1x32x16384xf32, #tpu.memory_space<vmem>>, vector<1x32x128xf32>
    %swap3A_505 = vector.shape_cast %swap3A_504 : vector<1x32x128xf32> to vector<32x128xf32>
    %swap3A_506 = vector.shape_cast %slice3A_500 : vector<32x128xf32> to vector<1x32x128xf32>
    tpu.vector_store %arg3[%swap3A_501, %swap3A_502, %swap3A_503], %swap3A_506 {strides = array<i32>} : memref<1x32x16384xf32, #tpu.memory_space<vmem>>, vector<1x32x128xf32>,
    %slice3A_507 = vector.extract_strided_slice %transpose3A_492 {offsets = [64, 0], sizes = [32, 128], strides = [1, 1]} : vector<128x128xf32> to vector<32x128xf32>
    %swap3A_508 = arith.constant 0 : index
    %swap3A_509 = arith.constant 0 : index
    %swap3A_510 = arith.constant 7424 : index
    %swap3A_511 = vector.load %arg3[%swap3A_508, %swap3A_509, %swap3A_510] : memref<1x32x16384xf32, #tpu.memory_space<vmem>>, vector<1x32x128xf32>
    %swap3A_512 = vector.shape_cast %swap3A_511 : vector<1x32x128xf32> to vector<32x128xf32>
    %swap3A_513 = vector.shape_cast %slice3A_507 : vector<32x128xf32> to vector<1x32x128xf32>
    tpu.vector_store %arg3[%swap3A_508, %swap3A_509, %swap3A_510], %swap3A_513 {strides = array<i32>} : memref<1x32x16384xf32, #tpu.memory_space<vmem>>, vector<1x32x128xf32>,
    %slice3A_514 = vector.extract_strided_slice %transpose3A_492 {offsets = [96, 0], sizes = [32, 128], strides = [1, 1]} : vector<128x128xf32> to vector<32x128xf32>
    %swap3A_515 = arith.constant 0 : index
    %swap3A_516 = arith.constant 0 : index
    %swap3A_517 = arith.constant 7552 : index
    %swap3A_518 = vector.load %arg3[%swap3A_515, %swap3A_516, %swap3A_517] : memref<1x32x16384xf32, #tpu.memory_space<vmem>>, vector<1x32x128xf32>
    %swap3A_519 = vector.shape_cast %swap3A_518 : vector<1x32x128xf32> to vector<32x128xf32>
    %swap3A_520 = vector.shape_cast %slice3A_514 : vector<32x128xf32> to vector<1x32x128xf32>
    tpu.vector_store %arg3[%swap3A_515, %swap3A_516, %swap3A_517], %swap3A_520 {strides = array<i32>} : memref<1x32x16384xf32, #tpu.memory_space<vmem>>, vector<1x32x128xf32>,
    %get3A_521 = arith.constant 0 : index
    %get3A_522 = arith.constant 15 : index
    %get3A_523 = arith.constant 0 : index
    %get3A_524 = arith.constant 0 : index
    %get3A_525 = vector.load %arg2[%get3A_521, %get3A_522, %get3A_523, %get3A_524] : memref<1x32x128x128xf32, #tpu.memory_space<vmem>>, vector<1x1x128x128xf32>
    %get3A_526 = vector.shape_cast %get3A_525 : vector<1x1x128x128xf32> to vector<128x128xf32>
    %transpose3A_527 = tpu.transpose %get3A_526, [1, 0] : vector<128x128xf32> -> vector<128x128xf32>
    %slice3A_528 = vector.extract_strided_slice %transpose3A_527 {offsets = [0, 0], sizes = [32, 128], strides = [1, 1]} : vector<128x128xf32> to vector<32x128xf32>
    %swap3A_529 = arith.constant 0 : index
    %swap3A_530 = arith.constant 0 : index
    %swap3A_531 = arith.constant 7680 : index
    %swap3A_532 = vector.load %arg3[%swap3A_529, %swap3A_530, %swap3A_531] : memref<1x32x16384xf32, #tpu.memory_space<vmem>>, vector<1x32x128xf32>
    %swap3A_533 = vector.shape_cast %swap3A_532 : vector<1x32x128xf32> to vector<32x128xf32>
    %swap3A_534 = vector.shape_cast %slice3A_528 : vector<32x128xf32> to vector<1x32x128xf32>
    tpu.vector_store %arg3[%swap3A_529, %swap3A_530, %swap3A_531], %swap3A_534 {strides = array<i32>} : memref<1x32x16384xf32, #tpu.memory_space<vmem>>, vector<1x32x128xf32>,
    %slice3A_535 = vector.extract_strided_slice %transpose3A_527 {offsets = [32, 0], sizes = [32, 128], strides = [1, 1]} : vector<128x128xf32> to vector<32x128xf32>
    %swap3A_536 = arith.constant 0 : index
    %swap3A_537 = arith.constant 0 : index
    %swap3A_538 = arith.constant 7808 : index
    %swap3A_539 = vector.load %arg3[%swap3A_536, %swap3A_537, %swap3A_538] : memref<1x32x16384xf32, #tpu.memory_space<vmem>>, vector<1x32x128xf32>
    %swap3A_540 = vector.shape_cast %swap3A_539 : vector<1x32x128xf32> to vector<32x128xf32>
    %swap3A_541 = vector.shape_cast %slice3A_535 : vector<32x128xf32> to vector<1x32x128xf32>
    tpu.vector_store %arg3[%swap3A_536, %swap3A_537, %swap3A_538], %swap3A_541 {strides = array<i32>} : memref<1x32x16384xf32, #tpu.memory_space<vmem>>, vector<1x32x128xf32>,
    %slice3A_542 = vector.extract_strided_slice %transpose3A_527 {offsets = [64, 0], sizes = [32, 128], strides = [1, 1]} : vector<128x128xf32> to vector<32x128xf32>
    %swap3A_543 = arith.constant 0 : index
    %swap3A_544 = arith.constant 0 : index
    %swap3A_545 = arith.constant 7936 : index
    %swap3A_546 = vector.load %arg3[%swap3A_543, %swap3A_544, %swap3A_545] : memref<1x32x16384xf32, #tpu.memory_space<vmem>>, vector<1x32x128xf32>
    %swap3A_547 = vector.shape_cast %swap3A_546 : vector<1x32x128xf32> to vector<32x128xf32>
    %swap3A_548 = vector.shape_cast %slice3A_542 : vector<32x128xf32> to vector<1x32x128xf32>
    tpu.vector_store %arg3[%swap3A_543, %swap3A_544, %swap3A_545], %swap3A_548 {strides = array<i32>} : memref<1x32x16384xf32, #tpu.memory_space<vmem>>, vector<1x32x128xf32>,
    %slice3A_549 = vector.extract_strided_slice %transpose3A_527 {offsets = [96, 0], sizes = [32, 128], strides = [1, 1]} : vector<128x128xf32> to vector<32x128xf32>
    %swap3A_550 = arith.constant 0 : index
    %swap3A_551 = arith.constant 0 : index
    %swap3A_552 = arith.constant 8064 : index
    %swap3A_553 = vector.load %arg3[%swap3A_550, %swap3A_551, %swap3A_552] : memref<1x32x16384xf32, #tpu.memory_space<vmem>>, vector<1x32x128xf32>
    %swap3A_554 = vector.shape_cast %swap3A_553 : vector<1x32x128xf32> to vector<32x128xf32>
    %swap3A_555 = vector.shape_cast %slice3A_549 : vector<32x128xf32> to vector<1x32x128xf32>
    tpu.vector_store %arg3[%swap3A_550, %swap3A_551, %swap3A_552], %swap3A_555 {strides = array<i32>} : memref<1x32x16384xf32, #tpu.memory_space<vmem>>, vector<1x32x128xf32>,
    %get3A_556 = arith.constant 0 : index
    %get3A_557 = arith.constant 16 : index
    %get3A_558 = arith.constant 0 : index
    %get3A_559 = arith.constant 0 : index
    %get3A_560 = vector.load %arg2[%get3A_556, %get3A_557, %get3A_558, %get3A_559] : memref<1x32x128x128xf32, #tpu.memory_space<vmem>>, vector<1x1x128x128xf32>
    %get3A_561 = vector.shape_cast %get3A_560 : vector<1x1x128x128xf32> to vector<128x128xf32>
    %transpose3A_562 = tpu.transpose %get3A_561, [1, 0] : vector<128x128xf32> -> vector<128x128xf32>
    %slice3A_563 = vector.extract_strided_slice %transpose3A_562 {offsets = [0, 0], sizes = [32, 128], strides = [1, 1]} : vector<128x128xf32> to vector<32x128xf32>
    %swap3A_564 = arith.constant 0 : index
    %swap3A_565 = arith.constant 0 : index
    %swap3A_566 = arith.constant 8192 : index
    %swap3A_567 = vector.load %arg3[%swap3A_564, %swap3A_565, %swap3A_566] : memref<1x32x16384xf32, #tpu.memory_space<vmem>>, vector<1x32x128xf32>
    %swap3A_568 = vector.shape_cast %swap3A_567 : vector<1x32x128xf32> to vector<32x128xf32>
    %swap3A_569 = vector.shape_cast %slice3A_563 : vector<32x128xf32> to vector<1x32x128xf32>
    tpu.vector_store %arg3[%swap3A_564, %swap3A_565, %swap3A_566], %swap3A_569 {strides = array<i32>} : memref<1x32x16384xf32, #tpu.memory_space<vmem>>, vector<1x32x128xf32>,
    %slice3A_570 = vector.extract_strided_slice %transpose3A_562 {offsets = [32, 0], sizes = [32, 128], strides = [1, 1]} : vector<128x128xf32> to vector<32x128xf32>
    %swap3A_571 = arith.constant 0 : index
    %swap3A_572 = arith.constant 0 : index
    %swap3A_573 = arith.constant 8320 : index
    %swap3A_574 = vector.load %arg3[%swap3A_571, %swap3A_572, %swap3A_573] : memref<1x32x16384xf32, #tpu.memory_space<vmem>>, vector<1x32x128xf32>
    %swap3A_575 = vector.shape_cast %swap3A_574 : vector<1x32x128xf32> to vector<32x128xf32>
    %swap3A_576 = vector.shape_cast %slice3A_570 : vector<32x128xf32> to vector<1x32x128xf32>
    tpu.vector_store %arg3[%swap3A_571, %swap3A_572, %swap3A_573], %swap3A_576 {strides = array<i32>} : memref<1x32x16384xf32, #tpu.memory_space<vmem>>, vector<1x32x128xf32>,
    %slice3A_577 = vector.extract_strided_slice %transpose3A_562 {offsets = [64, 0], sizes = [32, 128], strides = [1, 1]} : vector<128x128xf32> to vector<32x128xf32>
    %swap3A_578 = arith.constant 0 : index
    %swap3A_579 = arith.constant 0 : index
    %swap3A_580 = arith.constant 8448 : index
    %swap3A_581 = vector.load %arg3[%swap3A_578, %swap3A_579, %swap3A_580] : memref<1x32x16384xf32, #tpu.memory_space<vmem>>, vector<1x32x128xf32>
    %swap3A_582 = vector.shape_cast %swap3A_581 : vector<1x32x128xf32> to vector<32x128xf32>
    %swap3A_583 = vector.shape_cast %slice3A_577 : vector<32x128xf32> to vector<1x32x128xf32>
    tpu.vector_store %arg3[%swap3A_578, %swap3A_579, %swap3A_580], %swap3A_583 {strides = array<i32>} : memref<1x32x16384xf32, #tpu.memory_space<vmem>>, vector<1x32x128xf32>,
    %slice3A_584 = vector.extract_strided_slice %transpose3A_562 {offsets = [96, 0], sizes = [32, 128], strides = [1, 1]} : vector<128x128xf32> to vector<32x128xf32>
    %swap3A_585 = arith.constant 0 : index
    %swap3A_586 = arith.constant 0 : index
    %swap3A_587 = arith.constant 8576 : index
    %swap3A_588 = vector.load %arg3[%swap3A_585, %swap3A_586, %swap3A_587] : memref<1x32x16384xf32, #tpu.memory_space<vmem>>, vector<1x32x128xf32>
    %swap3A_589 = vector.shape_cast %swap3A_588 : vector<1x32x128xf32> to vector<32x128xf32>
    %swap3A_590 = vector.shape_cast %slice3A_584 : vector<32x128xf32> to vector<1x32x128xf32>
    tpu.vector_store %arg3[%swap3A_585, %swap3A_586, %swap3A_587], %swap3A_590 {strides = array<i32>} : memref<1x32x16384xf32, #tpu.memory_space<vmem>>, vector<1x32x128xf32>,
    %get3A_591 = arith.constant 0 : index
    %get3A_592 = arith.constant 17 : index
    %get3A_593 = arith.constant 0 : index
    %get3A_594 = arith.constant 0 : index
    %get3A_595 = vector.load %arg2[%get3A_591, %get3A_592, %get3A_593, %get3A_594] : memref<1x32x128x128xf32, #tpu.memory_space<vmem>>, vector<1x1x128x128xf32>
    %get3A_596 = vector.shape_cast %get3A_595 : vector<1x1x128x128xf32> to vector<128x128xf32>
    %transpose3A_597 = tpu.transpose %get3A_596, [1, 0] : vector<128x128xf32> -> vector<128x128xf32>
    %slice3A_598 = vector.extract_strided_slice %transpose3A_597 {offsets = [0, 0], sizes = [32, 128], strides = [1, 1]} : vector<128x128xf32> to vector<32x128xf32>
    %swap3A_599 = arith.constant 0 : index
    %swap3A_600 = arith.constant 0 : index
    %swap3A_601 = arith.constant 8704 : index
    %swap3A_602 = vector.load %arg3[%swap3A_599, %swap3A_600, %swap3A_601] : memref<1x32x16384xf32, #tpu.memory_space<vmem>>, vector<1x32x128xf32>
    %swap3A_603 = vector.shape_cast %swap3A_602 : vector<1x32x128xf32> to vector<32x128xf32>
    %swap3A_604 = vector.shape_cast %slice3A_598 : vector<32x128xf32> to vector<1x32x128xf32>
    tpu.vector_store %arg3[%swap3A_599, %swap3A_600, %swap3A_601], %swap3A_604 {strides = array<i32>} : memref<1x32x16384xf32, #tpu.memory_space<vmem>>, vector<1x32x128xf32>,
    %slice3A_605 = vector.extract_strided_slice %transpose3A_597 {offsets = [32, 0], sizes = [32, 128], strides = [1, 1]} : vector<128x128xf32> to vector<32x128xf32>
    %swap3A_606 = arith.constant 0 : index
    %swap3A_607 = arith.constant 0 : index
    %swap3A_608 = arith.constant 8832 : index
    %swap3A_609 = vector.load %arg3[%swap3A_606, %swap3A_607, %swap3A_608] : memref<1x32x16384xf32, #tpu.memory_space<vmem>>, vector<1x32x128xf32>
    %swap3A_610 = vector.shape_cast %swap3A_609 : vector<1x32x128xf32> to vector<32x128xf32>
    %swap3A_611 = vector.shape_cast %slice3A_605 : vector<32x128xf32> to vector<1x32x128xf32>
    tpu.vector_store %arg3[%swap3A_606, %swap3A_607, %swap3A_608], %swap3A_611 {strides = array<i32>} : memref<1x32x16384xf32, #tpu.memory_space<vmem>>, vector<1x32x128xf32>,
    %slice3A_612 = vector.extract_strided_slice %transpose3A_597 {offsets = [64, 0], sizes = [32, 128], strides = [1, 1]} : vector<128x128xf32> to vector<32x128xf32>
    %swap3A_613 = arith.constant 0 : index
    %swap3A_614 = arith.constant 0 : index
    %swap3A_615 = arith.constant 8960 : index
    %swap3A_616 = vector.load %arg3[%swap3A_613, %swap3A_614, %swap3A_615] : memref<1x32x16384xf32, #tpu.memory_space<vmem>>, vector<1x32x128xf32>
    %swap3A_617 = vector.shape_cast %swap3A_616 : vector<1x32x128xf32> to vector<32x128xf32>
    %swap3A_618 = vector.shape_cast %slice3A_612 : vector<32x128xf32> to vector<1x32x128xf32>
    tpu.vector_store %arg3[%swap3A_613, %swap3A_614, %swap3A_615], %swap3A_618 {strides = array<i32>} : memref<1x32x16384xf32, #tpu.memory_space<vmem>>, vector<1x32x128xf32>,
    %slice3A_619 = vector.extract_strided_slice %transpose3A_597 {offsets = [96, 0], sizes = [32, 128], strides = [1, 1]} : vector<128x128xf32> to vector<32x128xf32>
    %swap3A_620 = arith.constant 0 : index
    %swap3A_621 = arith.constant 0 : index
    %swap3A_622 = arith.constant 9088 : index
    %swap3A_623 = vector.load %arg3[%swap3A_620, %swap3A_621, %swap3A_622] : memref<1x32x16384xf32, #tpu.memory_space<vmem>>, vector<1x32x128xf32>
    %swap3A_624 = vector.shape_cast %swap3A_623 : vector<1x32x128xf32> to vector<32x128xf32>
    %swap3A_625 = vector.shape_cast %slice3A_619 : vector<32x128xf32> to vector<1x32x128xf32>
    tpu.vector_store %arg3[%swap3A_620, %swap3A_621, %swap3A_622], %swap3A_625 {strides = array<i32>} : memref<1x32x16384xf32, #tpu.memory_space<vmem>>, vector<1x32x128xf32>,
    %get3A_626 = arith.constant 0 : index
    %get3A_627 = arith.constant 18 : index
    %get3A_628 = arith.constant 0 : index
    %get3A_629 = arith.constant 0 : index
    %get3A_630 = vector.load %arg2[%get3A_626, %get3A_627, %get3A_628, %get3A_629] : memref<1x32x128x128xf32, #tpu.memory_space<vmem>>, vector<1x1x128x128xf32>
    %get3A_631 = vector.shape_cast %get3A_630 : vector<1x1x128x128xf32> to vector<128x128xf32>
    %transpose3A_632 = tpu.transpose %get3A_631, [1, 0] : vector<128x128xf32> -> vector<128x128xf32>
    %slice3A_633 = vector.extract_strided_slice %transpose3A_632 {offsets = [0, 0], sizes = [32, 128], strides = [1, 1]} : vector<128x128xf32> to vector<32x128xf32>
    %swap3A_634 = arith.constant 0 : index
    %swap3A_635 = arith.constant 0 : index
    %swap3A_636 = arith.constant 9216 : index
    %swap3A_637 = vector.load %arg3[%swap3A_634, %swap3A_635, %swap3A_636] : memref<1x32x16384xf32, #tpu.memory_space<vmem>>, vector<1x32x128xf32>
    %swap3A_638 = vector.shape_cast %swap3A_637 : vector<1x32x128xf32> to vector<32x128xf32>
    %swap3A_639 = vector.shape_cast %slice3A_633 : vector<32x128xf32> to vector<1x32x128xf32>
    tpu.vector_store %arg3[%swap3A_634, %swap3A_635, %swap3A_636], %swap3A_639 {strides = array<i32>} : memref<1x32x16384xf32, #tpu.memory_space<vmem>>, vector<1x32x128xf32>,
    %slice3A_640 = vector.extract_strided_slice %transpose3A_632 {offsets = [32, 0], sizes = [32, 128], strides = [1, 1]} : vector<128x128xf32> to vector<32x128xf32>
    %swap3A_641 = arith.constant 0 : index
    %swap3A_642 = arith.constant 0 : index
    %swap3A_643 = arith.constant 9344 : index
    %swap3A_644 = vector.load %arg3[%swap3A_641, %swap3A_642, %swap3A_643] : memref<1x32x16384xf32, #tpu.memory_space<vmem>>, vector<1x32x128xf32>
    %swap3A_645 = vector.shape_cast %swap3A_644 : vector<1x32x128xf32> to vector<32x128xf32>
    %swap3A_646 = vector.shape_cast %slice3A_640 : vector<32x128xf32> to vector<1x32x128xf32>
    tpu.vector_store %arg3[%swap3A_641, %swap3A_642, %swap3A_643], %swap3A_646 {strides = array<i32>} : memref<1x32x16384xf32, #tpu.memory_space<vmem>>, vector<1x32x128xf32>,
    %slice3A_647 = vector.extract_strided_slice %transpose3A_632 {offsets = [64, 0], sizes = [32, 128], strides = [1, 1]} : vector<128x128xf32> to vector<32x128xf32>
    %swap3A_648 = arith.constant 0 : index
    %swap3A_649 = arith.constant 0 : index
    %swap3A_650 = arith.constant 9472 : index
    %swap3A_651 = vector.load %arg3[%swap3A_648, %swap3A_649, %swap3A_650] : memref<1x32x16384xf32, #tpu.memory_space<vmem>>, vector<1x32x128xf32>
    %swap3A_652 = vector.shape_cast %swap3A_651 : vector<1x32x128xf32> to vector<32x128xf32>
    %swap3A_653 = vector.shape_cast %slice3A_647 : vector<32x128xf32> to vector<1x32x128xf32>
    tpu.vector_store %arg3[%swap3A_648, %swap3A_649, %swap3A_650], %swap3A_653 {strides = array<i32>} : memref<1x32x16384xf32, #tpu.memory_space<vmem>>, vector<1x32x128xf32>,
    %slice3A_654 = vector.extract_strided_slice %transpose3A_632 {offsets = [96, 0], sizes = [32, 128], strides = [1, 1]} : vector<128x128xf32> to vector<32x128xf32>
    %swap3A_655 = arith.constant 0 : index
    %swap3A_656 = arith.constant 0 : index
    %swap3A_657 = arith.constant 9600 : index
    %swap3A_658 = vector.load %arg3[%swap3A_655, %swap3A_656, %swap3A_657] : memref<1x32x16384xf32, #tpu.memory_space<vmem>>, vector<1x32x128xf32>
    %swap3A_659 = vector.shape_cast %swap3A_658 : vector<1x32x128xf32> to vector<32x128xf32>
    %swap3A_660 = vector.shape_cast %slice3A_654 : vector<32x128xf32> to vector<1x32x128xf32>
    tpu.vector_store %arg3[%swap3A_655, %swap3A_656, %swap3A_657], %swap3A_660 {strides = array<i32>} : memref<1x32x16384xf32, #tpu.memory_space<vmem>>, vector<1x32x128xf32>,
    %get3A_661 = arith.constant 0 : index
    %get3A_662 = arith.constant 19 : index
    %get3A_663 = arith.constant 0 : index
    %get3A_664 = arith.constant 0 : index
    %get3A_665 = vector.load %arg2[%get3A_661, %get3A_662, %get3A_663, %get3A_664] : memref<1x32x128x128xf32, #tpu.memory_space<vmem>>, vector<1x1x128x128xf32>
    %get3A_666 = vector.shape_cast %get3A_665 : vector<1x1x128x128xf32> to vector<128x128xf32>
    %transpose3A_667 = tpu.transpose %get3A_666, [1, 0] : vector<128x128xf32> -> vector<128x128xf32>
    %slice3A_668 = vector.extract_strided_slice %transpose3A_667 {offsets = [0, 0], sizes = [32, 128], strides = [1, 1]} : vector<128x128xf32> to vector<32x128xf32>
    %swap3A_669 = arith.constant 0 : index
    %swap3A_670 = arith.constant 0 : index
    %swap3A_671 = arith.constant 9728 : index
    %swap3A_672 = vector.load %arg3[%swap3A_669, %swap3A_670, %swap3A_671] : memref<1x32x16384xf32, #tpu.memory_space<vmem>>, vector<1x32x128xf32>
    %swap3A_673 = vector.shape_cast %swap3A_672 : vector<1x32x128xf32> to vector<32x128xf32>
    %swap3A_674 = vector.shape_cast %slice3A_668 : vector<32x128xf32> to vector<1x32x128xf32>
    tpu.vector_store %arg3[%swap3A_669, %swap3A_670, %swap3A_671], %swap3A_674 {strides = array<i32>} : memref<1x32x16384xf32, #tpu.memory_space<vmem>>, vector<1x32x128xf32>,
    %slice3A_675 = vector.extract_strided_slice %transpose3A_667 {offsets = [32, 0], sizes = [32, 128], strides = [1, 1]} : vector<128x128xf32> to vector<32x128xf32>
    %swap3A_676 = arith.constant 0 : index
    %swap3A_677 = arith.constant 0 : index
    %swap3A_678 = arith.constant 9856 : index
    %swap3A_679 = vector.load %arg3[%swap3A_676, %swap3A_677, %swap3A_678] : memref<1x32x16384xf32, #tpu.memory_space<vmem>>, vector<1x32x128xf32>
    %swap3A_680 = vector.shape_cast %swap3A_679 : vector<1x32x128xf32> to vector<32x128xf32>
    %swap3A_681 = vector.shape_cast %slice3A_675 : vector<32x128xf32> to vector<1x32x128xf32>
    tpu.vector_store %arg3[%swap3A_676, %swap3A_677, %swap3A_678], %swap3A_681 {strides = array<i32>} : memref<1x32x16384xf32, #tpu.memory_space<vmem>>, vector<1x32x128xf32>,
    %slice3A_682 = vector.extract_strided_slice %transpose3A_667 {offsets = [64, 0], sizes = [32, 128], strides = [1, 1]} : vector<128x128xf32> to vector<32x128xf32>
    %swap3A_683 = arith.constant 0 : index
    %swap3A_684 = arith.constant 0 : index
    %swap3A_685 = arith.constant 9984 : index
    %swap3A_686 = vector.load %arg3[%swap3A_683, %swap3A_684, %swap3A_685] : memref<1x32x16384xf32, #tpu.memory_space<vmem>>, vector<1x32x128xf32>
    %swap3A_687 = vector.shape_cast %swap3A_686 : vector<1x32x128xf32> to vector<32x128xf32>
    %swap3A_688 = vector.shape_cast %slice3A_682 : vector<32x128xf32> to vector<1x32x128xf32>
    tpu.vector_store %arg3[%swap3A_683, %swap3A_684, %swap3A_685], %swap3A_688 {strides = array<i32>} : memref<1x32x16384xf32, #tpu.memory_space<vmem>>, vector<1x32x128xf32>,
    %slice3A_689 = vector.extract_strided_slice %transpose3A_667 {offsets = [96, 0], sizes = [32, 128], strides = [1, 1]} : vector<128x128xf32> to vector<32x128xf32>
    %swap3A_690 = arith.constant 0 : index
    %swap3A_691 = arith.constant 0 : index
    %swap3A_692 = arith.constant 10112 : index
    %swap3A_693 = vector.load %arg3[%swap3A_690, %swap3A_691, %swap3A_692] : memref<1x32x16384xf32, #tpu.memory_space<vmem>>, vector<1x32x128xf32>
    %swap3A_694 = vector.shape_cast %swap3A_693 : vector<1x32x128xf32> to vector<32x128xf32>
    %swap3A_695 = vector.shape_cast %slice3A_689 : vector<32x128xf32> to vector<1x32x128xf32>
    tpu.vector_store %arg3[%swap3A_690, %swap3A_691, %swap3A_692], %swap3A_695 {strides = array<i32>} : memref<1x32x16384xf32, #tpu.memory_space<vmem>>, vector<1x32x128xf32>,
    %get3A_696 = arith.constant 0 : index
    %get3A_697 = arith.constant 20 : index
    %get3A_698 = arith.constant 0 : index
    %get3A_699 = arith.constant 0 : index
    %get3A_700 = vector.load %arg2[%get3A_696, %get3A_697, %get3A_698, %get3A_699] : memref<1x32x128x128xf32, #tpu.memory_space<vmem>>, vector<1x1x128x128xf32>
    %get3A_701 = vector.shape_cast %get3A_700 : vector<1x1x128x128xf32> to vector<128x128xf32>
    %transpose3A_702 = tpu.transpose %get3A_701, [1, 0] : vector<128x128xf32> -> vector<128x128xf32>
    %slice3A_703 = vector.extract_strided_slice %transpose3A_702 {offsets = [0, 0], sizes = [32, 128], strides = [1, 1]} : vector<128x128xf32> to vector<32x128xf32>
    %swap3A_704 = arith.constant 0 : index
    %swap3A_705 = arith.constant 0 : index
    %swap3A_706 = arith.constant 10240 : index
    %swap3A_707 = vector.load %arg3[%swap3A_704, %swap3A_705, %swap3A_706] : memref<1x32x16384xf32, #tpu.memory_space<vmem>>, vector<1x32x128xf32>
    %swap3A_708 = vector.shape_cast %swap3A_707 : vector<1x32x128xf32> to vector<32x128xf32>
    %swap3A_709 = vector.shape_cast %slice3A_703 : vector<32x128xf32> to vector<1x32x128xf32>
    tpu.vector_store %arg3[%swap3A_704, %swap3A_705, %swap3A_706], %swap3A_709 {strides = array<i32>} : memref<1x32x16384xf32, #tpu.memory_space<vmem>>, vector<1x32x128xf32>,
    %slice3A_710 = vector.extract_strided_slice %transpose3A_702 {offsets = [32, 0], sizes = [32, 128], strides = [1, 1]} : vector<128x128xf32> to vector<32x128xf32>
    %swap3A_711 = arith.constant 0 : index
    %swap3A_712 = arith.constant 0 : index
    %swap3A_713 = arith.constant 10368 : index
    %swap3A_714 = vector.load %arg3[%swap3A_711, %swap3A_712, %swap3A_713] : memref<1x32x16384xf32, #tpu.memory_space<vmem>>, vector<1x32x128xf32>
    %swap3A_715 = vector.shape_cast %swap3A_714 : vector<1x32x128xf32> to vector<32x128xf32>
    %swap3A_716 = vector.shape_cast %slice3A_710 : vector<32x128xf32> to vector<1x32x128xf32>
    tpu.vector_store %arg3[%swap3A_711, %swap3A_712, %swap3A_713], %swap3A_716 {strides = array<i32>} : memref<1x32x16384xf32, #tpu.memory_space<vmem>>, vector<1x32x128xf32>,
    %slice3A_717 = vector.extract_strided_slice %transpose3A_702 {offsets = [64, 0], sizes = [32, 128], strides = [1, 1]} : vector<128x128xf32> to vector<32x128xf32>
    %swap3A_718 = arith.constant 0 : index
    %swap3A_719 = arith.constant 0 : index
    %swap3A_720 = arith.constant 10496 : index
    %swap3A_721 = vector.load %arg3[%swap3A_718, %swap3A_719, %swap3A_720] : memref<1x32x16384xf32, #tpu.memory_space<vmem>>, vector<1x32x128xf32>
    %swap3A_722 = vector.shape_cast %swap3A_721 : vector<1x32x128xf32> to vector<32x128xf32>
    %swap3A_723 = vector.shape_cast %slice3A_717 : vector<32x128xf32> to vector<1x32x128xf32>
    tpu.vector_store %arg3[%swap3A_718, %swap3A_719, %swap3A_720], %swap3A_723 {strides = array<i32>} : memref<1x32x16384xf32, #tpu.memory_space<vmem>>, vector<1x32x128xf32>,
    %slice3A_724 = vector.extract_strided_slice %transpose3A_702 {offsets = [96, 0], sizes = [32, 128], strides = [1, 1]} : vector<128x128xf32> to vector<32x128xf32>
    %swap3A_725 = arith.constant 0 : index
    %swap3A_726 = arith.constant 0 : index
    %swap3A_727 = arith.constant 10624 : index
    %swap3A_728 = vector.load %arg3[%swap3A_725, %swap3A_726, %swap3A_727] : memref<1x32x16384xf32, #tpu.memory_space<vmem>>, vector<1x32x128xf32>
    %swap3A_729 = vector.shape_cast %swap3A_728 : vector<1x32x128xf32> to vector<32x128xf32>
    %swap3A_730 = vector.shape_cast %slice3A_724 : vector<32x128xf32> to vector<1x32x128xf32>
    tpu.vector_store %arg3[%swap3A_725, %swap3A_726, %swap3A_727], %swap3A_730 {strides = array<i32>} : memref<1x32x16384xf32, #tpu.memory_space<vmem>>, vector<1x32x128xf32>,
    %get3A_731 = arith.constant 0 : index
    %get3A_732 = arith.constant 21 : index
    %get3A_733 = arith.constant 0 : index
    %get3A_734 = arith.constant 0 : index
    %get3A_735 = vector.load %arg2[%get3A_731, %get3A_732, %get3A_733, %get3A_734] : memref<1x32x128x128xf32, #tpu.memory_space<vmem>>, vector<1x1x128x128xf32>
    %get3A_736 = vector.shape_cast %get3A_735 : vector<1x1x128x128xf32> to vector<128x128xf32>
    %transpose3A_737 = tpu.transpose %get3A_736, [1, 0] : vector<128x128xf32> -> vector<128x128xf32>
    %slice3A_738 = vector.extract_strided_slice %transpose3A_737 {offsets = [0, 0], sizes = [32, 128], strides = [1, 1]} : vector<128x128xf32> to vector<32x128xf32>
    %swap3A_739 = arith.constant 0 : index
    %swap3A_740 = arith.constant 0 : index
    %swap3A_741 = arith.constant 10752 : index
    %swap3A_742 = vector.load %arg3[%swap3A_739, %swap3A_740, %swap3A_741] : memref<1x32x16384xf32, #tpu.memory_space<vmem>>, vector<1x32x128xf32>
    %swap3A_743 = vector.shape_cast %swap3A_742 : vector<1x32x128xf32> to vector<32x128xf32>
    %swap3A_744 = vector.shape_cast %slice3A_738 : vector<32x128xf32> to vector<1x32x128xf32>
    tpu.vector_store %arg3[%swap3A_739, %swap3A_740, %swap3A_741], %swap3A_744 {strides = array<i32>} : memref<1x32x16384xf32, #tpu.memory_space<vmem>>, vector<1x32x128xf32>,
    %slice3A_745 = vector.extract_strided_slice %transpose3A_737 {offsets = [32, 0], sizes = [32, 128], strides = [1, 1]} : vector<128x128xf32> to vector<32x128xf32>
    %swap3A_746 = arith.constant 0 : index
    %swap3A_747 = arith.constant 0 : index
    %swap3A_748 = arith.constant 10880 : index
    %swap3A_749 = vector.load %arg3[%swap3A_746, %swap3A_747, %swap3A_748] : memref<1x32x16384xf32, #tpu.memory_space<vmem>>, vector<1x32x128xf32>
    %swap3A_750 = vector.shape_cast %swap3A_749 : vector<1x32x128xf32> to vector<32x128xf32>
    %swap3A_751 = vector.shape_cast %slice3A_745 : vector<32x128xf32> to vector<1x32x128xf32>
    tpu.vector_store %arg3[%swap3A_746, %swap3A_747, %swap3A_748], %swap3A_751 {strides = array<i32>} : memref<1x32x16384xf32, #tpu.memory_space<vmem>>, vector<1x32x128xf32>,
    %slice3A_752 = vector.extract_strided_slice %transpose3A_737 {offsets = [64, 0], sizes = [32, 128], strides = [1, 1]} : vector<128x128xf32> to vector<32x128xf32>
    %swap3A_753 = arith.constant 0 : index
    %swap3A_754 = arith.constant 0 : index
    %swap3A_755 = arith.constant 11008 : index
    %swap3A_756 = vector.load %arg3[%swap3A_753, %swap3A_754, %swap3A_755] : memref<1x32x16384xf32, #tpu.memory_space<vmem>>, vector<1x32x128xf32>
    %swap3A_757 = vector.shape_cast %swap3A_756 : vector<1x32x128xf32> to vector<32x128xf32>
    %swap3A_758 = vector.shape_cast %slice3A_752 : vector<32x128xf32> to vector<1x32x128xf32>
    tpu.vector_store %arg3[%swap3A_753, %swap3A_754, %swap3A_755], %swap3A_758 {strides = array<i32>} : memref<1x32x16384xf32, #tpu.memory_space<vmem>>, vector<1x32x128xf32>,
    %slice3A_759 = vector.extract_strided_slice %transpose3A_737 {offsets = [96, 0], sizes = [32, 128], strides = [1, 1]} : vector<128x128xf32> to vector<32x128xf32>
    %swap3A_760 = arith.constant 0 : index
    %swap3A_761 = arith.constant 0 : index
    %swap3A_762 = arith.constant 11136 : index
    %swap3A_763 = vector.load %arg3[%swap3A_760, %swap3A_761, %swap3A_762] : memref<1x32x16384xf32, #tpu.memory_space<vmem>>, vector<1x32x128xf32>
    %swap3A_764 = vector.shape_cast %swap3A_763 : vector<1x32x128xf32> to vector<32x128xf32>
    %swap3A_765 = vector.shape_cast %slice3A_759 : vector<32x128xf32> to vector<1x32x128xf32>
    tpu.vector_store %arg3[%swap3A_760, %swap3A_761, %swap3A_762], %swap3A_765 {strides = array<i32>} : memref<1x32x16384xf32, #tpu.memory_space<vmem>>, vector<1x32x128xf32>,
    %get3A_766 = arith.constant 0 : index
    %get3A_767 = arith.constant 22 : index
    %get3A_768 = arith.constant 0 : index
    %get3A_769 = arith.constant 0 : index
    %get3A_770 = vector.load %arg2[%get3A_766, %get3A_767, %get3A_768, %get3A_769] : memref<1x32x128x128xf32, #tpu.memory_space<vmem>>, vector<1x1x128x128xf32>
    %get3A_771 = vector.shape_cast %get3A_770 : vector<1x1x128x128xf32> to vector<128x128xf32>
    %transpose3A_772 = tpu.transpose %get3A_771, [1, 0] : vector<128x128xf32> -> vector<128x128xf32>
    %slice3A_773 = vector.extract_strided_slice %transpose3A_772 {offsets = [0, 0], sizes = [32, 128], strides = [1, 1]} : vector<128x128xf32> to vector<32x128xf32>
    %swap3A_774 = arith.constant 0 : index
    %swap3A_775 = arith.constant 0 : index
    %swap3A_776 = arith.constant 11264 : index
    %swap3A_777 = vector.load %arg3[%swap3A_774, %swap3A_775, %swap3A_776] : memref<1x32x16384xf32, #tpu.memory_space<vmem>>, vector<1x32x128xf32>
    %swap3A_778 = vector.shape_cast %swap3A_777 : vector<1x32x128xf32> to vector<32x128xf32>
    %swap3A_779 = vector.shape_cast %slice3A_773 : vector<32x128xf32> to vector<1x32x128xf32>
    tpu.vector_store %arg3[%swap3A_774, %swap3A_775, %swap3A_776], %swap3A_779 {strides = array<i32>} : memref<1x32x16384xf32, #tpu.memory_space<vmem>>, vector<1x32x128xf32>,
    %slice3A_780 = vector.extract_strided_slice %transpose3A_772 {offsets = [32, 0], sizes = [32, 128], strides = [1, 1]} : vector<128x128xf32> to vector<32x128xf32>
    %swap3A_781 = arith.constant 0 : index
    %swap3A_782 = arith.constant 0 : index
    %swap3A_783 = arith.constant 11392 : index
    %swap3A_784 = vector.load %arg3[%swap3A_781, %swap3A_782, %swap3A_783] : memref<1x32x16384xf32, #tpu.memory_space<vmem>>, vector<1x32x128xf32>
    %swap3A_785 = vector.shape_cast %swap3A_784 : vector<1x32x128xf32> to vector<32x128xf32>
    %swap3A_786 = vector.shape_cast %slice3A_780 : vector<32x128xf32> to vector<1x32x128xf32>
    tpu.vector_store %arg3[%swap3A_781, %swap3A_782, %swap3A_783], %swap3A_786 {strides = array<i32>} : memref<1x32x16384xf32, #tpu.memory_space<vmem>>, vector<1x32x128xf32>,
    %slice3A_787 = vector.extract_strided_slice %transpose3A_772 {offsets = [64, 0], sizes = [32, 128], strides = [1, 1]} : vector<128x128xf32> to vector<32x128xf32>
    %swap3A_788 = arith.constant 0 : index
    %swap3A_789 = arith.constant 0 : index
    %swap3A_790 = arith.constant 11520 : index
    %swap3A_791 = vector.load %arg3[%swap3A_788, %swap3A_789, %swap3A_790] : memref<1x32x16384xf32, #tpu.memory_space<vmem>>, vector<1x32x128xf32>
    %swap3A_792 = vector.shape_cast %swap3A_791 : vector<1x32x128xf32> to vector<32x128xf32>
    %swap3A_793 = vector.shape_cast %slice3A_787 : vector<32x128xf32> to vector<1x32x128xf32>
    tpu.vector_store %arg3[%swap3A_788, %swap3A_789, %swap3A_790], %swap3A_793 {strides = array<i32>} : memref<1x32x16384xf32, #tpu.memory_space<vmem>>, vector<1x32x128xf32>,
    %slice3A_794 = vector.extract_strided_slice %transpose3A_772 {offsets = [96, 0], sizes = [32, 128], strides = [1, 1]} : vector<128x128xf32> to vector<32x128xf32>
    %swap3A_795 = arith.constant 0 : index
    %swap3A_796 = arith.constant 0 : index
    %swap3A_797 = arith.constant 11648 : index
    %swap3A_798 = vector.load %arg3[%swap3A_795, %swap3A_796, %swap3A_797] : memref<1x32x16384xf32, #tpu.memory_space<vmem>>, vector<1x32x128xf32>
    %swap3A_799 = vector.shape_cast %swap3A_798 : vector<1x32x128xf32> to vector<32x128xf32>
    %swap3A_800 = vector.shape_cast %slice3A_794 : vector<32x128xf32> to vector<1x32x128xf32>
    tpu.vector_store %arg3[%swap3A_795, %swap3A_796, %swap3A_797], %swap3A_800 {strides = array<i32>} : memref<1x32x16384xf32, #tpu.memory_space<vmem>>, vector<1x32x128xf32>,
    %get3A_801 = arith.constant 0 : index
    %get3A_802 = arith.constant 23 : index
    %get3A_803 = arith.constant 0 : index
    %get3A_804 = arith.constant 0 : index
    %get3A_805 = vector.load %arg2[%get3A_801, %get3A_802, %get3A_803, %get3A_804] : memref<1x32x128x128xf32, #tpu.memory_space<vmem>>, vector<1x1x128x128xf32>
    %get3A_806 = vector.shape_cast %get3A_805 : vector<1x1x128x128xf32> to vector<128x128xf32>
    %transpose3A_807 = tpu.transpose %get3A_806, [1, 0] : vector<128x128xf32> -> vector<128x128xf32>
    %slice3A_808 = vector.extract_strided_slice %transpose3A_807 {offsets = [0, 0], sizes = [32, 128], strides = [1, 1]} : vector<128x128xf32> to vector<32x128xf32>
    %swap3A_809 = arith.constant 0 : index
    %swap3A_810 = arith.constant 0 : index
    %swap3A_811 = arith.constant 11776 : index
    %swap3A_812 = vector.load %arg3[%swap3A_809, %swap3A_810, %swap3A_811] : memref<1x32x16384xf32, #tpu.memory_space<vmem>>, vector<1x32x128xf32>
    %swap3A_813 = vector.shape_cast %swap3A_812 : vector<1x32x128xf32> to vector<32x128xf32>
    %swap3A_814 = vector.shape_cast %slice3A_808 : vector<32x128xf32> to vector<1x32x128xf32>
    tpu.vector_store %arg3[%swap3A_809, %swap3A_810, %swap3A_811], %swap3A_814 {strides = array<i32>} : memref<1x32x16384xf32, #tpu.memory_space<vmem>>, vector<1x32x128xf32>,
    %slice3A_815 = vector.extract_strided_slice %transpose3A_807 {offsets = [32, 0], sizes = [32, 128], strides = [1, 1]} : vector<128x128xf32> to vector<32x128xf32>
    %swap3A_816 = arith.constant 0 : index
    %swap3A_817 = arith.constant 0 : index
    %swap3A_818 = arith.constant 11904 : index
    %swap3A_819 = vector.load %arg3[%swap3A_816, %swap3A_817, %swap3A_818] : memref<1x32x16384xf32, #tpu.memory_space<vmem>>, vector<1x32x128xf32>
    %swap3A_820 = vector.shape_cast %swap3A_819 : vector<1x32x128xf32> to vector<32x128xf32>
    %swap3A_821 = vector.shape_cast %slice3A_815 : vector<32x128xf32> to vector<1x32x128xf32>
    tpu.vector_store %arg3[%swap3A_816, %swap3A_817, %swap3A_818], %swap3A_821 {strides = array<i32>} : memref<1x32x16384xf32, #tpu.memory_space<vmem>>, vector<1x32x128xf32>,
    %slice3A_822 = vector.extract_strided_slice %transpose3A_807 {offsets = [64, 0], sizes = [32, 128], strides = [1, 1]} : vector<128x128xf32> to vector<32x128xf32>
    %swap3A_823 = arith.constant 0 : index
    %swap3A_824 = arith.constant 0 : index
    %swap3A_825 = arith.constant 12032 : index
    %swap3A_826 = vector.load %arg3[%swap3A_823, %swap3A_824, %swap3A_825] : memref<1x32x16384xf32, #tpu.memory_space<vmem>>, vector<1x32x128xf32>
    %swap3A_827 = vector.shape_cast %swap3A_826 : vector<1x32x128xf32> to vector<32x128xf32>
    %swap3A_828 = vector.shape_cast %slice3A_822 : vector<32x128xf32> to vector<1x32x128xf32>
    tpu.vector_store %arg3[%swap3A_823, %swap3A_824, %swap3A_825], %swap3A_828 {strides = array<i32>} : memref<1x32x16384xf32, #tpu.memory_space<vmem>>, vector<1x32x128xf32>,
    %slice3A_829 = vector.extract_strided_slice %transpose3A_807 {offsets = [96, 0], sizes = [32, 128], strides = [1, 1]} : vector<128x128xf32> to vector<32x128xf32>
    %swap3A_830 = arith.constant 0 : index
    %swap3A_831 = arith.constant 0 : index
    %swap3A_832 = arith.constant 12160 : index
    %swap3A_833 = vector.load %arg3[%swap3A_830, %swap3A_831, %swap3A_832] : memref<1x32x16384xf32, #tpu.memory_space<vmem>>, vector<1x32x128xf32>
    %swap3A_834 = vector.shape_cast %swap3A_833 : vector<1x32x128xf32> to vector<32x128xf32>
    %swap3A_835 = vector.shape_cast %slice3A_829 : vector<32x128xf32> to vector<1x32x128xf32>
    tpu.vector_store %arg3[%swap3A_830, %swap3A_831, %swap3A_832], %swap3A_835 {strides = array<i32>} : memref<1x32x16384xf32, #tpu.memory_space<vmem>>, vector<1x32x128xf32>,
    %get3A_836 = arith.constant 0 : index
    %get3A_837 = arith.constant 24 : index
    %get3A_838 = arith.constant 0 : index
    %get3A_839 = arith.constant 0 : index
    %get3A_840 = vector.load %arg2[%get3A_836, %get3A_837, %get3A_838, %get3A_839] : memref<1x32x128x128xf32, #tpu.memory_space<vmem>>, vector<1x1x128x128xf32>
    %get3A_841 = vector.shape_cast %get3A_840 : vector<1x1x128x128xf32> to vector<128x128xf32>
    %transpose3A_842 = tpu.transpose %get3A_841, [1, 0] : vector<128x128xf32> -> vector<128x128xf32>
    %slice3A_843 = vector.extract_strided_slice %transpose3A_842 {offsets = [0, 0], sizes = [32, 128], strides = [1, 1]} : vector<128x128xf32> to vector<32x128xf32>
    %swap3A_844 = arith.constant 0 : index
    %swap3A_845 = arith.constant 0 : index
    %swap3A_846 = arith.constant 12288 : index
    %swap3A_847 = vector.load %arg3[%swap3A_844, %swap3A_845, %swap3A_846] : memref<1x32x16384xf32, #tpu.memory_space<vmem>>, vector<1x32x128xf32>
    %swap3A_848 = vector.shape_cast %swap3A_847 : vector<1x32x128xf32> to vector<32x128xf32>
    %swap3A_849 = vector.shape_cast %slice3A_843 : vector<32x128xf32> to vector<1x32x128xf32>
    tpu.vector_store %arg3[%swap3A_844, %swap3A_845, %swap3A_846], %swap3A_849 {strides = array<i32>} : memref<1x32x16384xf32, #tpu.memory_space<vmem>>, vector<1x32x128xf32>,
    %slice3A_850 = vector.extract_strided_slice %transpose3A_842 {offsets = [32, 0], sizes = [32, 128], strides = [1, 1]} : vector<128x128xf32> to vector<32x128xf32>
    %swap3A_851 = arith.constant 0 : index
    %swap3A_852 = arith.constant 0 : index
    %swap3A_853 = arith.constant 12416 : index
    %swap3A_854 = vector.load %arg3[%swap3A_851, %swap3A_852, %swap3A_853] : memref<1x32x16384xf32, #tpu.memory_space<vmem>>, vector<1x32x128xf32>
    %swap3A_855 = vector.shape_cast %swap3A_854 : vector<1x32x128xf32> to vector<32x128xf32>
    %swap3A_856 = vector.shape_cast %slice3A_850 : vector<32x128xf32> to vector<1x32x128xf32>
    tpu.vector_store %arg3[%swap3A_851, %swap3A_852, %swap3A_853], %swap3A_856 {strides = array<i32>} : memref<1x32x16384xf32, #tpu.memory_space<vmem>>, vector<1x32x128xf32>,
    %slice3A_857 = vector.extract_strided_slice %transpose3A_842 {offsets = [64, 0], sizes = [32, 128], strides = [1, 1]} : vector<128x128xf32> to vector<32x128xf32>
    %swap3A_858 = arith.constant 0 : index
    %swap3A_859 = arith.constant 0 : index
    %swap3A_860 = arith.constant 12544 : index
    %swap3A_861 = vector.load %arg3[%swap3A_858, %swap3A_859, %swap3A_860] : memref<1x32x16384xf32, #tpu.memory_space<vmem>>, vector<1x32x128xf32>
    %swap3A_862 = vector.shape_cast %swap3A_861 : vector<1x32x128xf32> to vector<32x128xf32>
    %swap3A_863 = vector.shape_cast %slice3A_857 : vector<32x128xf32> to vector<1x32x128xf32>
    tpu.vector_store %arg3[%swap3A_858, %swap3A_859, %swap3A_860], %swap3A_863 {strides = array<i32>} : memref<1x32x16384xf32, #tpu.memory_space<vmem>>, vector<1x32x128xf32>,
    %slice3A_864 = vector.extract_strided_slice %transpose3A_842 {offsets = [96, 0], sizes = [32, 128], strides = [1, 1]} : vector<128x128xf32> to vector<32x128xf32>
    %swap3A_865 = arith.constant 0 : index
    %swap3A_866 = arith.constant 0 : index
    %swap3A_867 = arith.constant 12672 : index
    %swap3A_868 = vector.load %arg3[%swap3A_865, %swap3A_866, %swap3A_867] : memref<1x32x16384xf32, #tpu.memory_space<vmem>>, vector<1x32x128xf32>
    %swap3A_869 = vector.shape_cast %swap3A_868 : vector<1x32x128xf32> to vector<32x128xf32>
    %swap3A_870 = vector.shape_cast %slice3A_864 : vector<32x128xf32> to vector<1x32x128xf32>
    tpu.vector_store %arg3[%swap3A_865, %swap3A_866, %swap3A_867], %swap3A_870 {strides = array<i32>} : memref<1x32x16384xf32, #tpu.memory_space<vmem>>, vector<1x32x128xf32>,
    %get3A_871 = arith.constant 0 : index
    %get3A_872 = arith.constant 25 : index
    %get3A_873 = arith.constant 0 : index
    %get3A_874 = arith.constant 0 : index
    %get3A_875 = vector.load %arg2[%get3A_871, %get3A_872, %get3A_873, %get3A_874] : memref<1x32x128x128xf32, #tpu.memory_space<vmem>>, vector<1x1x128x128xf32>
    %get3A_876 = vector.shape_cast %get3A_875 : vector<1x1x128x128xf32> to vector<128x128xf32>
    %transpose3A_877 = tpu.transpose %get3A_876, [1, 0] : vector<128x128xf32> -> vector<128x128xf32>
    %slice3A_878 = vector.extract_strided_slice %transpose3A_877 {offsets = [0, 0], sizes = [32, 128], strides = [1, 1]} : vector<128x128xf32> to vector<32x128xf32>
    %swap3A_879 = arith.constant 0 : index
    %swap3A_880 = arith.constant 0 : index
    %swap3A_881 = arith.constant 12800 : index
    %swap3A_882 = vector.load %arg3[%swap3A_879, %swap3A_880, %swap3A_881] : memref<1x32x16384xf32, #tpu.memory_space<vmem>>, vector<1x32x128xf32>
    %swap3A_883 = vector.shape_cast %swap3A_882 : vector<1x32x128xf32> to vector<32x128xf32>
    %swap3A_884 = vector.shape_cast %slice3A_878 : vector<32x128xf32> to vector<1x32x128xf32>
    tpu.vector_store %arg3[%swap3A_879, %swap3A_880, %swap3A_881], %swap3A_884 {strides = array<i32>} : memref<1x32x16384xf32, #tpu.memory_space<vmem>>, vector<1x32x128xf32>,
    %slice3A_885 = vector.extract_strided_slice %transpose3A_877 {offsets = [32, 0], sizes = [32, 128], strides = [1, 1]} : vector<128x128xf32> to vector<32x128xf32>
    %swap3A_886 = arith.constant 0 : index
    %swap3A_887 = arith.constant 0 : index
    %swap3A_888 = arith.constant 12928 : index
    %swap3A_889 = vector.load %arg3[%swap3A_886, %swap3A_887, %swap3A_888] : memref<1x32x16384xf32, #tpu.memory_space<vmem>>, vector<1x32x128xf32>
    %swap3A_890 = vector.shape_cast %swap3A_889 : vector<1x32x128xf32> to vector<32x128xf32>
    %swap3A_891 = vector.shape_cast %slice3A_885 : vector<32x128xf32> to vector<1x32x128xf32>
    tpu.vector_store %arg3[%swap3A_886, %swap3A_887, %swap3A_888], %swap3A_891 {strides = array<i32>} : memref<1x32x16384xf32, #tpu.memory_space<vmem>>, vector<1x32x128xf32>,
    %slice3A_892 = vector.extract_strided_slice %transpose3A_877 {offsets = [64, 0], sizes = [32, 128], strides = [1, 1]} : vector<128x128xf32> to vector<32x128xf32>
    %swap3A_893 = arith.constant 0 : index
    %swap3A_894 = arith.constant 0 : index
    %swap3A_895 = arith.constant 13056 : index
    %swap3A_896 = vector.load %arg3[%swap3A_893, %swap3A_894, %swap3A_895] : memref<1x32x16384xf32, #tpu.memory_space<vmem>>, vector<1x32x128xf32>
    %swap3A_897 = vector.shape_cast %swap3A_896 : vector<1x32x128xf32> to vector<32x128xf32>
    %swap3A_898 = vector.shape_cast %slice3A_892 : vector<32x128xf32> to vector<1x32x128xf32>
    tpu.vector_store %arg3[%swap3A_893, %swap3A_894, %swap3A_895], %swap3A_898 {strides = array<i32>} : memref<1x32x16384xf32, #tpu.memory_space<vmem>>, vector<1x32x128xf32>,
    %slice3A_899 = vector.extract_strided_slice %transpose3A_877 {offsets = [96, 0], sizes = [32, 128], strides = [1, 1]} : vector<128x128xf32> to vector<32x128xf32>
    %swap3A_900 = arith.constant 0 : index
    %swap3A_901 = arith.constant 0 : index
    %swap3A_902 = arith.constant 13184 : index
    %swap3A_903 = vector.load %arg3[%swap3A_900, %swap3A_901, %swap3A_902] : memref<1x32x16384xf32, #tpu.memory_space<vmem>>, vector<1x32x128xf32>
    %swap3A_904 = vector.shape_cast %swap3A_903 : vector<1x32x128xf32> to vector<32x128xf32>
    %swap3A_905 = vector.shape_cast %slice3A_899 : vector<32x128xf32> to vector<1x32x128xf32>
    tpu.vector_store %arg3[%swap3A_900, %swap3A_901, %swap3A_902], %swap3A_905 {strides = array<i32>} : memref<1x32x16384xf32, #tpu.memory_space<vmem>>, vector<1x32x128xf32>,
    %get3A_906 = arith.constant 0 : index
    %get3A_907 = arith.constant 26 : index
    %get3A_908 = arith.constant 0 : index
    %get3A_909 = arith.constant 0 : index
    %get3A_910 = vector.load %arg2[%get3A_906, %get3A_907, %get3A_908, %get3A_909] : memref<1x32x128x128xf32, #tpu.memory_space<vmem>>, vector<1x1x128x128xf32>
    %get3A_911 = vector.shape_cast %get3A_910 : vector<1x1x128x128xf32> to vector<128x128xf32>
    %transpose3A_912 = tpu.transpose %get3A_911, [1, 0] : vector<128x128xf32> -> vector<128x128xf32>
    %slice3A_913 = vector.extract_strided_slice %transpose3A_912 {offsets = [0, 0], sizes = [32, 128], strides = [1, 1]} : vector<128x128xf32> to vector<32x128xf32>
    %swap3A_914 = arith.constant 0 : index
    %swap3A_915 = arith.constant 0 : index
    %swap3A_916 = arith.constant 13312 : index
    %swap3A_917 = vector.load %arg3[%swap3A_914, %swap3A_915, %swap3A_916] : memref<1x32x16384xf32, #tpu.memory_space<vmem>>, vector<1x32x128xf32>
    %swap3A_918 = vector.shape_cast %swap3A_917 : vector<1x32x128xf32> to vector<32x128xf32>
    %swap3A_919 = vector.shape_cast %slice3A_913 : vector<32x128xf32> to vector<1x32x128xf32>
    tpu.vector_store %arg3[%swap3A_914, %swap3A_915, %swap3A_916], %swap3A_919 {strides = array<i32>} : memref<1x32x16384xf32, #tpu.memory_space<vmem>>, vector<1x32x128xf32>,
    %slice3A_920 = vector.extract_strided_slice %transpose3A_912 {offsets = [32, 0], sizes = [32, 128], strides = [1, 1]} : vector<128x128xf32> to vector<32x128xf32>
    %swap3A_921 = arith.constant 0 : index
    %swap3A_922 = arith.constant 0 : index
    %swap3A_923 = arith.constant 13440 : index
    %swap3A_924 = vector.load %arg3[%swap3A_921, %swap3A_922, %swap3A_923] : memref<1x32x16384xf32, #tpu.memory_space<vmem>>, vector<1x32x128xf32>
    %swap3A_925 = vector.shape_cast %swap3A_924 : vector<1x32x128xf32> to vector<32x128xf32>
    %swap3A_926 = vector.shape_cast %slice3A_920 : vector<32x128xf32> to vector<1x32x128xf32>
    tpu.vector_store %arg3[%swap3A_921, %swap3A_922, %swap3A_923], %swap3A_926 {strides = array<i32>} : memref<1x32x16384xf32, #tpu.memory_space<vmem>>, vector<1x32x128xf32>,
    %slice3A_927 = vector.extract_strided_slice %transpose3A_912 {offsets = [64, 0], sizes = [32, 128], strides = [1, 1]} : vector<128x128xf32> to vector<32x128xf32>
    %swap3A_928 = arith.constant 0 : index
    %swap3A_929 = arith.constant 0 : index
    %swap3A_930 = arith.constant 13568 : index
    %swap3A_931 = vector.load %arg3[%swap3A_928, %swap3A_929, %swap3A_930] : memref<1x32x16384xf32, #tpu.memory_space<vmem>>, vector<1x32x128xf32>
    %swap3A_932 = vector.shape_cast %swap3A_931 : vector<1x32x128xf32> to vector<32x128xf32>
    %swap3A_933 = vector.shape_cast %slice3A_927 : vector<32x128xf32> to vector<1x32x128xf32>
    tpu.vector_store %arg3[%swap3A_928, %swap3A_929, %swap3A_930], %swap3A_933 {strides = array<i32>} : memref<1x32x16384xf32, #tpu.memory_space<vmem>>, vector<1x32x128xf32>,
    %slice3A_934 = vector.extract_strided_slice %transpose3A_912 {offsets = [96, 0], sizes = [32, 128], strides = [1, 1]} : vector<128x128xf32> to vector<32x128xf32>
    %swap3A_935 = arith.constant 0 : index
    %swap3A_936 = arith.constant 0 : index
    %swap3A_937 = arith.constant 13696 : index
    %swap3A_938 = vector.load %arg3[%swap3A_935, %swap3A_936, %swap3A_937] : memref<1x32x16384xf32, #tpu.memory_space<vmem>>, vector<1x32x128xf32>
    %swap3A_939 = vector.shape_cast %swap3A_938 : vector<1x32x128xf32> to vector<32x128xf32>
    %swap3A_940 = vector.shape_cast %slice3A_934 : vector<32x128xf32> to vector<1x32x128xf32>
    tpu.vector_store %arg3[%swap3A_935, %swap3A_936, %swap3A_937], %swap3A_940 {strides = array<i32>} : memref<1x32x16384xf32, #tpu.memory_space<vmem>>, vector<1x32x128xf32>,
    %get3A_941 = arith.constant 0 : index
    %get3A_942 = arith.constant 27 : index
    %get3A_943 = arith.constant 0 : index
    %get3A_944 = arith.constant 0 : index
    %get3A_945 = vector.load %arg2[%get3A_941, %get3A_942, %get3A_943, %get3A_944] : memref<1x32x128x128xf32, #tpu.memory_space<vmem>>, vector<1x1x128x128xf32>
    %get3A_946 = vector.shape_cast %get3A_945 : vector<1x1x128x128xf32> to vector<128x128xf32>
    %transpose3A_947 = tpu.transpose %get3A_946, [1, 0] : vector<128x128xf32> -> vector<128x128xf32>
    %slice3A_948 = vector.extract_strided_slice %transpose3A_947 {offsets = [0, 0], sizes = [32, 128], strides = [1, 1]} : vector<128x128xf32> to vector<32x128xf32>
    %swap3A_949 = arith.constant 0 : index
    %swap3A_950 = arith.constant 0 : index
    %swap3A_951 = arith.constant 13824 : index
    %swap3A_952 = vector.load %arg3[%swap3A_949, %swap3A_950, %swap3A_951] : memref<1x32x16384xf32, #tpu.memory_space<vmem>>, vector<1x32x128xf32>
    %swap3A_953 = vector.shape_cast %swap3A_952 : vector<1x32x128xf32> to vector<32x128xf32>
    %swap3A_954 = vector.shape_cast %slice3A_948 : vector<32x128xf32> to vector<1x32x128xf32>
    tpu.vector_store %arg3[%swap3A_949, %swap3A_950, %swap3A_951], %swap3A_954 {strides = array<i32>} : memref<1x32x16384xf32, #tpu.memory_space<vmem>>, vector<1x32x128xf32>,
    %slice3A_955 = vector.extract_strided_slice %transpose3A_947 {offsets = [32, 0], sizes = [32, 128], strides = [1, 1]} : vector<128x128xf32> to vector<32x128xf32>
    %swap3A_956 = arith.constant 0 : index
    %swap3A_957 = arith.constant 0 : index
    %swap3A_958 = arith.constant 13952 : index
    %swap3A_959 = vector.load %arg3[%swap3A_956, %swap3A_957, %swap3A_958] : memref<1x32x16384xf32, #tpu.memory_space<vmem>>, vector<1x32x128xf32>
    %swap3A_960 = vector.shape_cast %swap3A_959 : vector<1x32x128xf32> to vector<32x128xf32>
    %swap3A_961 = vector.shape_cast %slice3A_955 : vector<32x128xf32> to vector<1x32x128xf32>
    tpu.vector_store %arg3[%swap3A_956, %swap3A_957, %swap3A_958], %swap3A_961 {strides = array<i32>} : memref<1x32x16384xf32, #tpu.memory_space<vmem>>, vector<1x32x128xf32>,
    %slice3A_962 = vector.extract_strided_slice %transpose3A_947 {offsets = [64, 0], sizes = [32, 128], strides = [1, 1]} : vector<128x128xf32> to vector<32x128xf32>
    %swap3A_963 = arith.constant 0 : index
    %swap3A_964 = arith.constant 0 : index
    %swap3A_965 = arith.constant 14080 : index
    %swap3A_966 = vector.load %arg3[%swap3A_963, %swap3A_964, %swap3A_965] : memref<1x32x16384xf32, #tpu.memory_space<vmem>>, vector<1x32x128xf32>
    %swap3A_967 = vector.shape_cast %swap3A_966 : vector<1x32x128xf32> to vector<32x128xf32>
    %swap3A_968 = vector.shape_cast %slice3A_962 : vector<32x128xf32> to vector<1x32x128xf32>
    tpu.vector_store %arg3[%swap3A_963, %swap3A_964, %swap3A_965], %swap3A_968 {strides = array<i32>} : memref<1x32x16384xf32, #tpu.memory_space<vmem>>, vector<1x32x128xf32>,
    %slice3A_969 = vector.extract_strided_slice %transpose3A_947 {offsets = [96, 0], sizes = [32, 128], strides = [1, 1]} : vector<128x128xf32> to vector<32x128xf32>
    %swap3A_970 = arith.constant 0 : index
    %swap3A_971 = arith.constant 0 : index
    %swap3A_972 = arith.constant 14208 : index
    %swap3A_973 = vector.load %arg3[%swap3A_970, %swap3A_971, %swap3A_972] : memref<1x32x16384xf32, #tpu.memory_space<vmem>>, vector<1x32x128xf32>
    %swap3A_974 = vector.shape_cast %swap3A_973 : vector<1x32x128xf32> to vector<32x128xf32>
    %swap3A_975 = vector.shape_cast %slice3A_969 : vector<32x128xf32> to vector<1x32x128xf32>
    tpu.vector_store %arg3[%swap3A_970, %swap3A_971, %swap3A_972], %swap3A_975 {strides = array<i32>} : memref<1x32x16384xf32, #tpu.memory_space<vmem>>, vector<1x32x128xf32>,
    %get3A_976 = arith.constant 0 : index
    %get3A_977 = arith.constant 28 : index
    %get3A_978 = arith.constant 0 : index
    %get3A_979 = arith.constant 0 : index
    %get3A_980 = vector.load %arg2[%get3A_976, %get3A_977, %get3A_978, %get3A_979] : memref<1x32x128x128xf32, #tpu.memory_space<vmem>>, vector<1x1x128x128xf32>
    %get3A_981 = vector.shape_cast %get3A_980 : vector<1x1x128x128xf32> to vector<128x128xf32>
    %transpose3A_982 = tpu.transpose %get3A_981, [1, 0] : vector<128x128xf32> -> vector<128x128xf32>
    %slice3A_983 = vector.extract_strided_slice %transpose3A_982 {offsets = [0, 0], sizes = [32, 128], strides = [1, 1]} : vector<128x128xf32> to vector<32x128xf32>
    %swap3A_984 = arith.constant 0 : index
    %swap3A_985 = arith.constant 0 : index
    %swap3A_986 = arith.constant 14336 : index
    %swap3A_987 = vector.load %arg3[%swap3A_984, %swap3A_985, %swap3A_986] : memref<1x32x16384xf32, #tpu.memory_space<vmem>>, vector<1x32x128xf32>
    %swap3A_988 = vector.shape_cast %swap3A_987 : vector<1x32x128xf32> to vector<32x128xf32>
    %swap3A_989 = vector.shape_cast %slice3A_983 : vector<32x128xf32> to vector<1x32x128xf32>
    tpu.vector_store %arg3[%swap3A_984, %swap3A_985, %swap3A_986], %swap3A_989 {strides = array<i32>} : memref<1x32x16384xf32, #tpu.memory_space<vmem>>, vector<1x32x128xf32>,
    %slice3A_990 = vector.extract_strided_slice %transpose3A_982 {offsets = [32, 0], sizes = [32, 128], strides = [1, 1]} : vector<128x128xf32> to vector<32x128xf32>
    %swap3A_991 = arith.constant 0 : index
    %swap3A_992 = arith.constant 0 : index
    %swap3A_993 = arith.constant 14464 : index
    %swap3A_994 = vector.load %arg3[%swap3A_991, %swap3A_992, %swap3A_993] : memref<1x32x16384xf32, #tpu.memory_space<vmem>>, vector<1x32x128xf32>
    %swap3A_995 = vector.shape_cast %swap3A_994 : vector<1x32x128xf32> to vector<32x128xf32>
    %swap3A_996 = vector.shape_cast %slice3A_990 : vector<32x128xf32> to vector<1x32x128xf32>
    tpu.vector_store %arg3[%swap3A_991, %swap3A_992, %swap3A_993], %swap3A_996 {strides = array<i32>} : memref<1x32x16384xf32, #tpu.memory_space<vmem>>, vector<1x32x128xf32>,
    %slice3A_997 = vector.extract_strided_slice %transpose3A_982 {offsets = [64, 0], sizes = [32, 128], strides = [1, 1]} : vector<128x128xf32> to vector<32x128xf32>
    %swap3A_998 = arith.constant 0 : index
    %swap3A_999 = arith.constant 0 : index
    %swap3A_1000 = arith.constant 14592 : index
    %swap3A_1001 = vector.load %arg3[%swap3A_998, %swap3A_999, %swap3A_1000] : memref<1x32x16384xf32, #tpu.memory_space<vmem>>, vector<1x32x128xf32>
    %swap3A_1002 = vector.shape_cast %swap3A_1001 : vector<1x32x128xf32> to vector<32x128xf32>
    %swap3A_1003 = vector.shape_cast %slice3A_997 : vector<32x128xf32> to vector<1x32x128xf32>
    tpu.vector_store %arg3[%swap3A_998, %swap3A_999, %swap3A_1000], %swap3A_1003 {strides = array<i32>} : memref<1x32x16384xf32, #tpu.memory_space<vmem>>, vector<1x32x128xf32>,
    %slice3A_1004 = vector.extract_strided_slice %transpose3A_982 {offsets = [96, 0], sizes = [32, 128], strides = [1, 1]} : vector<128x128xf32> to vector<32x128xf32>
    %swap3A_1005 = arith.constant 0 : index
    %swap3A_1006 = arith.constant 0 : index
    %swap3A_1007 = arith.constant 14720 : index
    %swap3A_1008 = vector.load %arg3[%swap3A_1005, %swap3A_1006, %swap3A_1007] : memref<1x32x16384xf32, #tpu.memory_space<vmem>>, vector<1x32x128xf32>
    %swap3A_1009 = vector.shape_cast %swap3A_1008 : vector<1x32x128xf32> to vector<32x128xf32>
    %swap3A_1010 = vector.shape_cast %slice3A_1004 : vector<32x128xf32> to vector<1x32x128xf32>
    tpu.vector_store %arg3[%swap3A_1005, %swap3A_1006, %swap3A_1007], %swap3A_1010 {strides = array<i32>} : memref<1x32x16384xf32, #tpu.memory_space<vmem>>, vector<1x32x128xf32>,
    %get3A_1011 = arith.constant 0 : index
    %get3A_1012 = arith.constant 29 : index
    %get3A_1013 = arith.constant 0 : index
    %get3A_1014 = arith.constant 0 : index
    %get3A_1015 = vector.load %arg2[%get3A_1011, %get3A_1012, %get3A_1013, %get3A_1014] : memref<1x32x128x128xf32, #tpu.memory_space<vmem>>, vector<1x1x128x128xf32>
    %get3A_1016 = vector.shape_cast %get3A_1015 : vector<1x1x128x128xf32> to vector<128x128xf32>
    %transpose3A_1017 = tpu.transpose %get3A_1016, [1, 0] : vector<128x128xf32> -> vector<128x128xf32>
    %slice3A_1018 = vector.extract_strided_slice %transpose3A_1017 {offsets = [0, 0], sizes = [32, 128], strides = [1, 1]} : vector<128x128xf32> to vector<32x128xf32>
    %swap3A_1019 = arith.constant 0 : index
    %swap3A_1020 = arith.constant 0 : index
    %swap3A_1021 = arith.constant 14848 : index
    %swap3A_1022 = vector.load %arg3[%swap3A_1019, %swap3A_1020, %swap3A_1021] : memref<1x32x16384xf32, #tpu.memory_space<vmem>>, vector<1x32x128xf32>
    %swap3A_1023 = vector.shape_cast %swap3A_1022 : vector<1x32x128xf32> to vector<32x128xf32>
    %swap3A_1024 = vector.shape_cast %slice3A_1018 : vector<32x128xf32> to vector<1x32x128xf32>
    tpu.vector_store %arg3[%swap3A_1019, %swap3A_1020, %swap3A_1021], %swap3A_1024 {strides = array<i32>} : memref<1x32x16384xf32, #tpu.memory_space<vmem>>, vector<1x32x128xf32>,
    %slice3A_1025 = vector.extract_strided_slice %transpose3A_1017 {offsets = [32, 0], sizes = [32, 128], strides = [1, 1]} : vector<128x128xf32> to vector<32x128xf32>
    %swap3A_1026 = arith.constant 0 : index
    %swap3A_1027 = arith.constant 0 : index
    %swap3A_1028 = arith.constant 14976 : index
    %swap3A_1029 = vector.load %arg3[%swap3A_1026, %swap3A_1027, %swap3A_1028] : memref<1x32x16384xf32, #tpu.memory_space<vmem>>, vector<1x32x128xf32>
    %swap3A_1030 = vector.shape_cast %swap3A_1029 : vector<1x32x128xf32> to vector<32x128xf32>
    %swap3A_1031 = vector.shape_cast %slice3A_1025 : vector<32x128xf32> to vector<1x32x128xf32>
    tpu.vector_store %arg3[%swap3A_1026, %swap3A_1027, %swap3A_1028], %swap3A_1031 {strides = array<i32>} : memref<1x32x16384xf32, #tpu.memory_space<vmem>>, vector<1x32x128xf32>,
    %slice3A_1032 = vector.extract_strided_slice %transpose3A_1017 {offsets = [64, 0], sizes = [32, 128], strides = [1, 1]} : vector<128x128xf32> to vector<32x128xf32>
    %swap3A_1033 = arith.constant 0 : index
    %swap3A_1034 = arith.constant 0 : index
    %swap3A_1035 = arith.constant 15104 : index
    %swap3A_1036 = vector.load %arg3[%swap3A_1033, %swap3A_1034, %swap3A_1035] : memref<1x32x16384xf32, #tpu.memory_space<vmem>>, vector<1x32x128xf32>
    %swap3A_1037 = vector.shape_cast %swap3A_1036 : vector<1x32x128xf32> to vector<32x128xf32>
    %swap3A_1038 = vector.shape_cast %slice3A_1032 : vector<32x128xf32> to vector<1x32x128xf32>
    tpu.vector_store %arg3[%swap3A_1033, %swap3A_1034, %swap3A_1035], %swap3A_1038 {strides = array<i32>} : memref<1x32x16384xf32, #tpu.memory_space<vmem>>, vector<1x32x128xf32>,
    %slice3A_1039 = vector.extract_strided_slice %transpose3A_1017 {offsets = [96, 0], sizes = [32, 128], strides = [1, 1]} : vector<128x128xf32> to vector<32x128xf32>
    %swap3A_1040 = arith.constant 0 : index
    %swap3A_1041 = arith.constant 0 : index
    %swap3A_1042 = arith.constant 15232 : index
    %swap3A_1043 = vector.load %arg3[%swap3A_1040, %swap3A_1041, %swap3A_1042] : memref<1x32x16384xf32, #tpu.memory_space<vmem>>, vector<1x32x128xf32>
    %swap3A_1044 = vector.shape_cast %swap3A_1043 : vector<1x32x128xf32> to vector<32x128xf32>
    %swap3A_1045 = vector.shape_cast %slice3A_1039 : vector<32x128xf32> to vector<1x32x128xf32>
    tpu.vector_store %arg3[%swap3A_1040, %swap3A_1041, %swap3A_1042], %swap3A_1045 {strides = array<i32>} : memref<1x32x16384xf32, #tpu.memory_space<vmem>>, vector<1x32x128xf32>,
    %get3A_1046 = arith.constant 0 : index
    %get3A_1047 = arith.constant 30 : index
    %get3A_1048 = arith.constant 0 : index
    %get3A_1049 = arith.constant 0 : index
    %get3A_1050 = vector.load %arg2[%get3A_1046, %get3A_1047, %get3A_1048, %get3A_1049] : memref<1x32x128x128xf32, #tpu.memory_space<vmem>>, vector<1x1x128x128xf32>
    %get3A_1051 = vector.shape_cast %get3A_1050 : vector<1x1x128x128xf32> to vector<128x128xf32>
    %transpose3A_1052 = tpu.transpose %get3A_1051, [1, 0] : vector<128x128xf32> -> vector<128x128xf32>
    %slice3A_1053 = vector.extract_strided_slice %transpose3A_1052 {offsets = [0, 0], sizes = [32, 128], strides = [1, 1]} : vector<128x128xf32> to vector<32x128xf32>
    %swap3A_1054 = arith.constant 0 : index
    %swap3A_1055 = arith.constant 0 : index
    %swap3A_1056 = arith.constant 15360 : index
    %swap3A_1057 = vector.load %arg3[%swap3A_1054, %swap3A_1055, %swap3A_1056] : memref<1x32x16384xf32, #tpu.memory_space<vmem>>, vector<1x32x128xf32>
    %swap3A_1058 = vector.shape_cast %swap3A_1057 : vector<1x32x128xf32> to vector<32x128xf32>
    %swap3A_1059 = vector.shape_cast %slice3A_1053 : vector<32x128xf32> to vector<1x32x128xf32>
    tpu.vector_store %arg3[%swap3A_1054, %swap3A_1055, %swap3A_1056], %swap3A_1059 {strides = array<i32>} : memref<1x32x16384xf32, #tpu.memory_space<vmem>>, vector<1x32x128xf32>,
    %slice3A_1060 = vector.extract_strided_slice %transpose3A_1052 {offsets = [32, 0], sizes = [32, 128], strides = [1, 1]} : vector<128x128xf32> to vector<32x128xf32>
    %swap3A_1061 = arith.constant 0 : index
    %swap3A_1062 = arith.constant 0 : index
    %swap3A_1063 = arith.constant 15488 : index
    %swap3A_1064 = vector.load %arg3[%swap3A_1061, %swap3A_1062, %swap3A_1063] : memref<1x32x16384xf32, #tpu.memory_space<vmem>>, vector<1x32x128xf32>
    %swap3A_1065 = vector.shape_cast %swap3A_1064 : vector<1x32x128xf32> to vector<32x128xf32>
    %swap3A_1066 = vector.shape_cast %slice3A_1060 : vector<32x128xf32> to vector<1x32x128xf32>
    tpu.vector_store %arg3[%swap3A_1061, %swap3A_1062, %swap3A_1063], %swap3A_1066 {strides = array<i32>} : memref<1x32x16384xf32, #tpu.memory_space<vmem>>, vector<1x32x128xf32>,
    %slice3A_1067 = vector.extract_strided_slice %transpose3A_1052 {offsets = [64, 0], sizes = [32, 128], strides = [1, 1]} : vector<128x128xf32> to vector<32x128xf32>
    %swap3A_1068 = arith.constant 0 : index
    %swap3A_1069 = arith.constant 0 : index
    %swap3A_1070 = arith.constant 15616 : index
    %swap3A_1071 = vector.load %arg3[%swap3A_1068, %swap3A_1069, %swap3A_1070] : memref<1x32x16384xf32, #tpu.memory_space<vmem>>, vector<1x32x128xf32>
    %swap3A_1072 = vector.shape_cast %swap3A_1071 : vector<1x32x128xf32> to vector<32x128xf32>
    %swap3A_1073 = vector.shape_cast %slice3A_1067 : vector<32x128xf32> to vector<1x32x128xf32>
    tpu.vector_store %arg3[%swap3A_1068, %swap3A_1069, %swap3A_1070], %swap3A_1073 {strides = array<i32>} : memref<1x32x16384xf32, #tpu.memory_space<vmem>>, vector<1x32x128xf32>,
    %slice3A_1074 = vector.extract_strided_slice %transpose3A_1052 {offsets = [96, 0], sizes = [32, 128], strides = [1, 1]} : vector<128x128xf32> to vector<32x128xf32>
    %swap3A_1075 = arith.constant 0 : index
    %swap3A_1076 = arith.constant 0 : index
    %swap3A_1077 = arith.constant 15744 : index
    %swap3A_1078 = vector.load %arg3[%swap3A_1075, %swap3A_1076, %swap3A_1077] : memref<1x32x16384xf32, #tpu.memory_space<vmem>>, vector<1x32x128xf32>
    %swap3A_1079 = vector.shape_cast %swap3A_1078 : vector<1x32x128xf32> to vector<32x128xf32>
    %swap3A_1080 = vector.shape_cast %slice3A_1074 : vector<32x128xf32> to vector<1x32x128xf32>
    tpu.vector_store %arg3[%swap3A_1075, %swap3A_1076, %swap3A_1077], %swap3A_1080 {strides = array<i32>} : memref<1x32x16384xf32, #tpu.memory_space<vmem>>, vector<1x32x128xf32>,
    %get3A_1081 = arith.constant 0 : index
    %get3A_1082 = arith.constant 31 : index
    %get3A_1083 = arith.constant 0 : index
    %get3A_1084 = arith.constant 0 : index
    %get3A_1085 = vector.load %arg2[%get3A_1081, %get3A_1082, %get3A_1083, %get3A_1084] : memref<1x32x128x128xf32, #tpu.memory_space<vmem>>, vector<1x1x128x128xf32>
    %get3A_1086 = vector.shape_cast %get3A_1085 : vector<1x1x128x128xf32> to vector<128x128xf32>
    %transpose3A_1087 = tpu.transpose %get3A_1086, [1, 0] : vector<128x128xf32> -> vector<128x128xf32>
    %slice3A_1088 = vector.extract_strided_slice %transpose3A_1087 {offsets = [0, 0], sizes = [32, 128], strides = [1, 1]} : vector<128x128xf32> to vector<32x128xf32>
    %swap3A_1089 = arith.constant 0 : index
    %swap3A_1090 = arith.constant 0 : index
    %swap3A_1091 = arith.constant 15872 : index
    %swap3A_1092 = vector.load %arg3[%swap3A_1089, %swap3A_1090, %swap3A_1091] : memref<1x32x16384xf32, #tpu.memory_space<vmem>>, vector<1x32x128xf32>
    %swap3A_1093 = vector.shape_cast %swap3A_1092 : vector<1x32x128xf32> to vector<32x128xf32>
    %swap3A_1094 = vector.shape_cast %slice3A_1088 : vector<32x128xf32> to vector<1x32x128xf32>
    tpu.vector_store %arg3[%swap3A_1089, %swap3A_1090, %swap3A_1091], %swap3A_1094 {strides = array<i32>} : memref<1x32x16384xf32, #tpu.memory_space<vmem>>, vector<1x32x128xf32>,
    %slice3A_1095 = vector.extract_strided_slice %transpose3A_1087 {offsets = [32, 0], sizes = [32, 128], strides = [1, 1]} : vector<128x128xf32> to vector<32x128xf32>
    %swap3A_1096 = arith.constant 0 : index
    %swap3A_1097 = arith.constant 0 : index
    %swap3A_1098 = arith.constant 16000 : index
    %swap3A_1099 = vector.load %arg3[%swap3A_1096, %swap3A_1097, %swap3A_1098] : memref<1x32x16384xf32, #tpu.memory_space<vmem>>, vector<1x32x128xf32>
    %swap3A_1100 = vector.shape_cast %swap3A_1099 : vector<1x32x128xf32> to vector<32x128xf32>
    %swap3A_1101 = vector.shape_cast %slice3A_1095 : vector<32x128xf32> to vector<1x32x128xf32>
    tpu.vector_store %arg3[%swap3A_1096, %swap3A_1097, %swap3A_1098], %swap3A_1101 {strides = array<i32>} : memref<1x32x16384xf32, #tpu.memory_space<vmem>>, vector<1x32x128xf32>,
    %slice3A_1102 = vector.extract_strided_slice %transpose3A_1087 {offsets = [64, 0], sizes = [32, 128], strides = [1, 1]} : vector<128x128xf32> to vector<32x128xf32>
    %swap3A_1103 = arith.constant 0 : index
    %swap3A_1104 = arith.constant 0 : index
    %swap3A_1105 = arith.constant 16128 : index
    %swap3A_1106 = vector.load %arg3[%swap3A_1103, %swap3A_1104, %swap3A_1105] : memref<1x32x16384xf32, #tpu.memory_space<vmem>>, vector<1x32x128xf32>
    %swap3A_1107 = vector.shape_cast %swap3A_1106 : vector<1x32x128xf32> to vector<32x128xf32>
    %swap3A_1108 = vector.shape_cast %slice3A_1102 : vector<32x128xf32> to vector<1x32x128xf32>
    tpu.vector_store %arg3[%swap3A_1103, %swap3A_1104, %swap3A_1105], %swap3A_1108 {strides = array<i32>} : memref<1x32x16384xf32, #tpu.memory_space<vmem>>, vector<1x32x128xf32>,
    %slice3A_1109 = vector.extract_strided_slice %transpose3A_1087 {offsets = [96, 0], sizes = [32, 128], strides = [1, 1]} : vector<128x128xf32> to vector<32x128xf32>
    %swap3A_1110 = arith.constant 0 : index
    %swap3A_1111 = arith.constant 0 : index
    %swap3A_1112 = arith.constant 16256 : index
    %swap3A_1113 = vector.load %arg3[%swap3A_1110, %swap3A_1111, %swap3A_1112] : memref<1x32x16384xf32, #tpu.memory_space<vmem>>, vector<1x32x128xf32>
    %swap3A_1114 = vector.shape_cast %swap3A_1113 : vector<1x32x128xf32> to vector<32x128xf32>
    %swap3A_1115 = vector.shape_cast %slice3A_1109 : vector<32x128xf32> to vector<1x32x128xf32>
    tpu.vector_store %arg3[%swap3A_1110, %swap3A_1111, %swap3A_1112], %swap3A_1115 {strides = array<i32>} : memref<1x32x16384xf32, #tpu.memory_space<vmem>>, vector<1x32x128xf32>,
    return
  }
  func.func @transform_0(%arg0: i32, %arg1: i32) -> (i32, i32, i32, i32) {
    %c0_i32 = arith.constant 0 : i32
    %c0_i32_0 = arith.constant 0 : i32
    %c0_i32_1 = arith.constant 0 : i32
    return %arg0, %arg1, %c0_i32, %c0_i32_0 : i32, i32, i32, i32
  }
  func.func @transform_1(%arg0: i32, %arg1: i32) -> (i32, i32, i32) {
    %c0_i32 = arith.constant 0 : i32
    %c0_i32_0 = arith.constant 0 : i32
    return %arg0, %c0_i32, %arg1 : i32, i32, i32
  }
}

</mosaic_0001>

<sc_bundles>
// kernel: kernel.4.cloned.1.call-start
scs
__scs_entry_jumppad:
0x0: {  	(pc) =	sbr.rel $0x88, $3  }
0x1: {  	(tag) =	ssettag $0x0;
	lr =	simm.s32 $0x1  }
0x2: {  	[smem:$0x3F9F] =	sst lr;
	_ =	strace $0xD0000000  }
0x3: {  	_ = 	snop  }
0x4: {  	_ = 	snop  }
0x5: {  	_ = 	snop  }
0x6: {  	_ = 	snop  }
0x7: {  	_ = 	snop  }
__scs_overlays_trampoline_lowered:
0x8: {  	[smem:$0x3FAE] =	sst s0  }
0x9: {  	[smem:$0x3FAF] =	sst s1  }
0xa: {  	[smem:$0x3FB0] =	sst s2  }
0xb: {  	[smem:$0x3FB1] =	sst s3  }
0xc: {  	[smem:$0x3FB2] =	sst s4  }
0xd: {  	[smem:$0x3FB3] =	sst s5  }
0xe: {  	[smem:$0x3FB4] =	sst s6  }
0xf: {  	[smem:$0x3FB5] =	sst s7  }
0x10: {  	[smem:$0x3FB6] =	sst s8  }
0x11: {  	[smem:$0x3FB7] =	sst s9;
	s0 =	simm.s32 @!p0 $0x0  }
0x12: {  	s1 =	sld [smem:$0x3F9D];
	s0 =	simm.s32 @p0 $0x1  }
0x13: {  	[smem:$0x3FB8] =	sst s0;
	s0 =	simm.s32 @!p1 $0x0  }
0x14: {  	s2 =	sld [smem:$0x3F9C];
	s0 =	simm.s32 @p1 $0x1  }
0x15: {  	[smem:$0x3FB9] =	sst s0;
	s0 =	simm.s32 @!p2 $0x0  }
0x16: {  	s3 =	sld [smem:$0x3FDB];
	s0 =	simm.s32 @p2 $0x1  }
0x17: {  	s4 =	simm.s32 $0x1BF5;
	[smem:$0x3FBB] =	sst s0  }
0x18: {  	s0 =	sld [smem:$0x3F9E];
	_ =	swait.ge [sflag:s4], $0x0  }
0x19: {  	s7 =	sld [smem:$0x3F9F]  }
0x1a: {  	s8 =	sadd.s32 $0xFFFFE003, lr  }
0x1b: {  	s9 =	sadd.s32 $0xFFFFFEF7, lr;
	s5 =	simm.s32 $0xFFFFFFFF;
	p2 =	slt.u32 s8, $0xFFFFF086  }
0x1c: {  	p1 =	slt.u32 s9, $0xF7A;
	s5 =	simm.s32 @!p2 $0x0  }
0x1d: {  	s5 =	simm.s32 @p1 $0x1;
	p0 =	seq.s32 s7, s2  }
0x1e: {  	s7 =	smul.u32 @!p0 $0xF7A, s2;
	p2 =	seq.s32 @!p0 s5, $0x0  }
0x1f: {  	s9 =	smul.u32 $0xF7A, s1;
	s8 =	simm.s32 @!p0 $0x1BF5;
	p2 =	por !p2, p0  }
0x20: {  	[sflag:s8] =	ssyncset.s32 @!p0 $0xFFFFF086;
	s6 =	sadd.s32 @!p0 s3, s7;
	s7 =	simm.s32 @!p0 $0x108  }
0x21: {  	s3 =	sadd.s32 s3, s9;
	s6 =	sadd.s32 @!p0 $0x88, s6;
	s7 =	simm.s32 @p2 $0x1082  }
0x22: {  	[simem:s7], [sflag:s8] =	dma.local @!p0 [hbm:s6], $0xF7A  }
0x23: {  	s9 =	sor.u32 $0xD0000000, s2;
	s6 =	simm.s32 $0x108;
	_ =	swait.ge @!p0 [sflag:s8], $0x0  }
0x24: {  	s3 =	sadd.s32 $0x88, s3;
	s6 =	simm.s32 @!p1 $0x1082;
	[sflag:s4] =	ssyncset.s32 $0xFFFFF086  }
0x25: {  	[simem:s6], [sflag:s4] =	dma.local [hbm:s3], $0xF7A  }
0x26: {  	[smem:$0x3F9F] =	sst s1;
	(tag) =	ssettag s2;
	_ =	strace s9  }
0x27: {  	s1 =	sld [smem:$0x3FAF]  }
0x28: {  	s2 =	sld [smem:$0x3FB0]  }
0x29: {  	s4 =	sld [smem:$0x3FB2]  }
0x2a: {  	p0 =	seq.s32 s5, $0x0;
	s5 =	sld [smem:$0x3FB3]  }
0x2b: {  	s6 =	sld [smem:$0x3FB4]  }
0x2c: {  	s7 =	sld [smem:$0x3FB5]  }
0x2d: {  	s3 =	simm.s32 $0x108;
	s8 =	sld [smem:$0x3FB6]  }
0x2e: {  	s3 =	simm.s32 @!p0 $0x1082;
	s9 =	sld [smem:$0x3FB7]  }
0x2f: {  	lr =	sadd.s32 s0, s3;
	s0 =	sld [smem:$0x3FAE]  }
0x30: {  	s3 =	sld [smem:$0x3FB1]  }
0x31: {  	[smem:$0x3FBA] =	sst s10  }
0x32: {  	s10 =	sld [smem:$0x3FB8];
	_ =	sdelay $0x3  }
0x33: {  	p0 =	seq.s32 s10, $0x1;
	s10 =	sld [smem:$0x3FBA];
	_ =	sdelay $0x3  }
0x34: {  	[smem:$0x3FBA] =	sst s10  }
0x35: {  	s10 =	sld [smem:$0x3FB9];
	_ =	sdelay $0x3  }
0x36: {  	p1 =	seq.s32 s10, $0x1;
	s10 =	sld [smem:$0x3FBA];
	_ =	sdelay $0x3  }
0x37: {  	[smem:$0x3FBA] =	sst s10  }
0x38: {  	s10 =	sld [smem:$0x3FBB]  }
0x39: {  	_ = 	snop;
	(pc) =	sbr.ind lr, $3  }
0x3a: {  	_ = 	snop  }
0x3b: {  	_ = 	snop  }
0x3c: {  	p2 =	seq.s32 s10, $0x1;
	s10 =	sld [smem:$0x3FBA]  }
0x3d: {  	_ =	shalt  }
0x3e: {  	_ =	shalt  }
0x3f: {  	_ =	shalt  }
0x40: {  	_ =	shalt  }
0x41: {  	_ =	shalt  }
0x42: {  	_ =	shalt  }
0x43: {  	_ =	shalt  }
0x44: {  	_ =	shalt  }
0x45: {  	_ =	shalt  }
0x46: {  	_ =	shalt  }
0x47: {  	_ =	shalt  }
0x48: {  	_ =	shalt  }
0x49: {  	_ =	shalt  }
0x4a: {  	_ =	shalt  }
0x4b: {  	_ =	shalt  }
0x4c: {  	_ =	shalt  }
0x4d: {  	_ =	shalt  }
0x4e: {  	_ =	shalt  }
0x4f: {  	_ =	shalt  }
0x50: {  	_ =	shalt  }
0x51: {  	_ =	shalt  }
0x52: {  	_ =	shalt  }
0x53: {  	_ =	shalt  }
0x54: {  	_ =	shalt  }
0x55: {  	_ =	shalt  }
0x56: {  	_ =	shalt  }
0x57: {  	_ =	shalt  }
0x58: {  	_ =	shalt  }
0x59: {  	_ =	shalt  }
0x5a: {  	_ =	shalt  }
0x5b: {  	_ =	shalt  }
0x5c: {  	_ =	shalt  }
0x5d: {  	_ =	shalt  }
0x5e: {  	_ =	shalt  }
0x5f: {  	_ =	shalt  }
0x60: {  	_ =	shalt  }
0x61: {  	_ =	shalt  }
0x62: {  	_ =	shalt  }
0x63: {  	_ =	shalt  }
0x64: {  	_ =	shalt  }
0x65: {  	_ =	shalt  }
0x66: {  	_ =	shalt  }
0x67: {  	_ =	shalt  }
0x68: {  	_ =	shalt  }
0x69: {  	_ =	shalt  }
0x6a: {  	_ =	shalt  }
0x6b: {  	_ =	shalt  }
0x6c: {  	_ =	shalt  }
0x6d: {  	_ =	shalt  }
0x6e: {  	_ =	shalt  }
0x6f: {  	_ =	shalt  }
0x70: {  	_ =	shalt  }
0x71: {  	_ =	shalt  }
0x72: {  	_ =	shalt  }
0x73: {  	_ =	shalt  }
0x74: {  	_ =	shalt  }
0x75: {  	_ =	shalt  }
0x76: {  	_ =	shalt  }
0x77: {  	_ =	shalt  }
0x78: {  	_ =	shalt  }
0x79: {  	_ =	shalt  }
0x7a: {  	_ =	shalt  }
0x7b: {  	_ =	shalt  }
0x7c: {  	_ =	shalt  }
0x7d: {  	_ =	shalt  }
0x7e: {  	_ =	shalt  }
0x7f: {  	_ =	shalt  }
0x80: {  	_ =	shalt  }
0x81: {  	_ =	shalt  }
0x82: {  	_ =	shalt  }
0x83: {  	_ =	shalt  }
0x84: {  	_ =	shalt  }
0x85: {  	_ =	shalt  }
0x86: {  	_ =	shalt  }
0x87: {  	_ =	shalt  }
.Lfunc_end0:
.L_simem_size_0:
called_computation_lowered:
.L_overlay_start_0:
0x88: {  	s2 =	sld [smem:$0x3FD9]  }
0x89: {  	s3 =	sld [smem:$0x3FFE];
	_ =	sdelay $0x1  }
0x8a: {  	s1 =	srdreg.scid  }
0x8b: {  	s0 =	sand.u32 $0x1, s1  }
0x8c: {  	s17 =	sshll.u32 s0, $0xA;
	s2 =	sadd.s32 s3, s2  }
0x8d: {  	s2 =	sadd.s32 s2, s17  }
0x8e: {  	[smem:$0x3FC6] =	sst s2  }
0x8f: {  	_ = 	snop  }
0x90: {  	s2 =	sld [smem:$0x3FD0];
	(tm) =	ssettm $0x1  }
0x91: {  	s18 =	sld [smem:$0x3FFB];
	_ =	sdelay $0x3  }
0x92: {  	_ =	strace s18  }
0x93: {  	s3 =	sld [smem:$0x3FFC];
	_ =	sdelay $0x3  }
0x94: {  	_ =	strace s3  }
0x95: {  	s3 =	sld [smem:$0x3FFD];
	_ =	sdelay $0x3  }
0x96: {  	_ =	strace s3  }
0x97: {  	_ =	strace $0x8FFFFFFF  }
0x98: {  	s19 =	sld [smem:$0x3FDB];
	_ =	sdelay $0x1  }
0x99: {  	s4 =	simm.s32 $_scs_section_size  }
0x9a: {  	s5 =	simm.s32 $_size__tile_overlayer_lowered;
	s6 =	simm.s32 $_tile_overlayer_lowered  }
0x9b: {  	s22 =	simm.s32 $0x1BFF;
	s21 =	sshll.u32 s6, $0x1;
	s3 =	sadd.s32 s4, s19  }
0x9c: {  	s7 =	simm.s32 $0x0;
	s20 =	sshll.u32 s5, $0x1;
	s5 =	sadd.s32 s21, s3  }
0x9d: {  	[timem:s7], [sflag:s22] =	dma.local [hbm:s5], s20  }
0x9e: {  	_ =	swait.ge [sflag:s22], s20  }
0x9f: {  	s4 =	ssub.s32 $0x0, s20;
	[sflag:s22] =	ssyncset.done $0x0  }
0xa0: {  	[sflag:s22] =	ssyncadd.s32 s4;
	_ =	sdelay $0x1  }
0xa1: {  	s23 =	simm.s32 $0x1B8B  }
0xa2: {  	_ =	swait.ge [sflag:s23], $0x1  }
0xa3: {  	[sflag:s23] =	ssyncset.done $0x0  }
0xa4: {  	s25 =	simm.s32 $0x1B8E;
	s24 =	sld [smem:$0x3FFE];
	[sflag:s23] =	ssyncadd.s32 $0xFFFFFFFF  }
0xa5: {  	s26 =	simm.s32 $execute0_lowered;
	[smem:$0x3FD2] =	sst s25  }
0xa6: {  	s5 =	sshll.u32 s26, $0x1;
	_ =	strace $0x80000046;
	[dreg:$0x1] =	wrdreg $0xFFFFFFFF  }
0xa7: {  	s28 =	simm.s32 $_size_execute0_lowered;
	s3 =	sadd.s32 s3, s5;
	[dreg:$0x0] =	wrdreg $0x0  }
0xa8: {  	s5 =	sshll.u32 s28, $0x1;
	[dreg:$0x2] =	wrdreg s3  }
0xa9: {  	[dreg:$0x3] =	wrdreg s5  }
0xaa: {  	[dreg:$0x4] =	wrdreg $0xC0  }
0xab: {  	_ =	task [dreg:s7], $0x5FFFF  }
0xac: {  	[dreg:$0x1] =	wrdreg $0xFFFFFFFF  }
0xad: {  	[dreg:$0x0] =	wrdreg $0x60  }
0xae: {  	[dreg:$0x2] =	wrdreg s2  }
0xaf: {  	[dreg:$0x3] =	wrdreg s24  }
0xb0: {  	[dreg:$0x4] =	wrdreg $0x9  }
0xb1: {  	_ =	task.clear_ibuf [dreg:s7], $0x5FFFF;
	_ =	strace $0x90000046  }
0xb2: {  	s29 =	simm.s32 $0x9;
	_ =	strace $0x80000048  }
0xb3: {  	_ =	swait.ge [sflag:s29], $0x1  }
0xb4: {  	[sflag:s29] =	ssyncadd.s32 $0xFFFFFFFF  }
0xb5: {  	_ =	strace $0x90000048  }
0xb6: {  	_ =	sfence  }
0xb7: {  	s30 =	sld [smem:$0x0];
	_ =	sdelay $0x2  }
0xb8: {  	s31 =	sshll.u32 s1, $0xD;
	s1 =	sshrl.u32 s1, $0x2  }
0xb9: {  	s3 =	sand.u32 $0x4000, s31;
	s1 =	sadd.s32 s1, s30  }
0xba: {  	s0 =	sor.u32 s3, s0;
	s1 =	sshll.u32 s1, $0x11  }
0xbb: {  	s0 =	sor.u32 s1, s0  }
0xbc: {  	s0 =	sadd.s32 $0x8F2B, s0  }
0xbd: {  	[sflag:s0] =	ssyncadd.remote.s32 $0x1  }
0xbe: {  	_ =	sfence.sel $0xFFFF  }
0xbf: {  	[dreg:$0x0] =	wrdreg $0xFFFFFFFF;
	(pc) =	sbr.abs _section_cstart, $3  }
0xc0: {  	[dreg:$0x1] =	wrdreg $0xFFFFFFFF  }
0xc1: {  	_ =	task.clear_ibuf [dreg:s7], $0x2FFFF;
	_ =	strace $0x9FFFFFFF  }
0xc2: {  	(tm) =	ssettm $0x7FFFFFFF  }
0xc3: {  	_ =	shalt  }
tec
execute0_lowered:
.L_overlay_start_1:
0x0: {  	(tag) =	ssettag $0x1  }
0x1: {  	s4 =	rddreg [dreg:$0x0]  }
0x2: {  	s2 =	rddreg [dreg:$0x1]  }
0x3: {  	s0 =	rddreg [dreg:$0x2];
	s1 =	simm.s32 $0x0  }
0x4: {  	s3 =	srdreg.scid;
	s11 =	simm.s32 $0x8400;
	s12 =	simm.s32 $0x9400  }
0x5: {  	s13 =	simm.s32 $0xA400;
	s14 =	simm.s32 $0xB400;
	s15 =	simm.s32 $0xC400  }
0x6: {  	s16 =	simm.s32 $0xD400;
	s17 =	simm.s32 $0x1;
	s18 =	simm.s32 $0x20  }
0x7: {  	s19 =	simm.s32 $0x2;
	s20 =	simm.s32 $0x3;
	s21 =	simm.s32 $0x4  }
0x8: {  	s22 =	simm.s32 $0x0;
	[smem:$0x7FF] =	sst s1;
	s5 =	sand.u32 $0x1, s3  }
0x9: {  	s3 =	sadd.s32 $0xF42A00, s2;
	s7 =	sadd.s32 $0x600, s2;
	s2 =	stileid.u32  }
0xa: {  	_ =	strace $0x80000047;
	s6 =	ssub.s32 $0x2, s5;
	s30 =	sshll.u32 s2, $0xF  }
0xb: {  	s9 =	sshll.u32 s5, $0xE;
	s10 =	sshll.u32 s2, $0x7;
	s5 =	sshll.u32 s5, $0x6  }
0xc: {  	s8 =	sshrl.u32 s6, $0x1;
	s5 =	sor.u32 s5, s10;
	s10 =	simm.s32 $0x7400  }
0xd: {  	s6 =	ssub.s32 s6, s8;
	s8 =	sor.u32 s9, s30;
	s4 =	sadd.s32 s4, s5  }
0xe: {  	s9 =	sshrl.u32 s8, $0x3;
	s8 =	sor.u32 $0x80000, s8;
	s5 =	smax.u32 s6, $0x1  }
0xf: {  	s6 =	simm.s32 $0x4000;
	s9 =	sadd.s32 s9, s7;
	s8 =	sshrl.u32 s8, $0x3  }
0x10: {  	[dreg:$0x3] =	wrdreg s9;
	s31 =	sadd.s32 s8, s7;
	s7 =	simm.s32 $0x5  }
0x11: {  	s8 =	simm.s32 $0x80;
	s9 =	simm.s32 $0x6400;
	[dreg:$0x4] =	wrdreg s31  }
.LBB2_1:
0x12: {  	s23 =	simm.s32 $0x200  }
0x13: {  	[tilespmem:s1], [sflag:$0x5] =	stream.strided.gather [hbm4b:s4+s23], $0x6400, s6, s23, $0x38;
	[tilespmem:$0xE400] =	vst v63  }
0x14: {  	_ =	swait.ge [sflag:s7], $0x6400  }
0x15: {  	[sflag:s7] =	ssyncset.done $0x0  }
0x16: {  	s24 =	simm.s32 $0x0;
	[sflag:s7] =	ssyncadd.s32 $0xFFFF9C00  }
0x17: {  	[tilespmem:s9], [sflag:$0x1] =	stream.indirect.gather [hbm4b:s3+s8], $0x20, s24, s8, $0xb8;
	[tilespmem:$0xE400] =	vst v63  }
0x18: {  	s26 =	simm.s32 $0x80  }
0x19: {  	[tilespmem:s10], [sflag:$0x1] =	stream.indirect.gather [hbm4b:s3+s8], $0x20, s26, s8, $0xb8;
	[tilespmem:$0xE400] =	vst v63  }
0x1a: {  	s28 =	simm.s32 $0x100  }
0x1b: {  	[tilespmem:s11], [sflag:$0x1] =	stream.indirect.gather [hbm4b:s3+s8], $0x20, s28, s8, $0xb8;
	[tilespmem:$0xE400] =	vst v63  }
0x1c: {  	s29 =	simm.s32 $0x180  }
0x1d: {  	[tilespmem:s12], [sflag:$0x1] =	stream.indirect.gather [hbm4b:s3+s8], $0x20, s29, s8, $0xb8;
	[tilespmem:$0xE400] =	vst v63  }
0x1e: {  	_ = 	snop  }
0x1f: {  	[tilespmem:s13], [sflag:$0x2] =	stream.indirect.gather [hbm4b:s3+s8], $0x20, s23, s8, $0xb8;
	[tilespmem:$0xE400] =	vst v63  }
0x20: {  	s30 =	simm.s32 $0x280  }
0x21: {  	[tilespmem:s14], [sflag:$0x2] =	stream.indirect.gather [hbm4b:s3+s8], $0x20, s30, s8, $0xb8;
	[tilespmem:$0xE400] =	vst v63  }
0x22: {  	s31 =	simm.s32 $0x300  }
0x23: {  	[tilespmem:s15], [sflag:$0x2] =	stream.indirect.gather [hbm4b:s3+s8], $0x20, s31, s8, $0xb8;
	[tilespmem:$0xE400] =	vst v63  }
0x24: {  	s24 =	simm.s32 $0x380  }
0x25: {  	[tilespmem:s16], [sflag:$0x2] =	stream.indirect.gather [hbm4b:s3+s8], $0x20, s24, s8, $0xb8;
	[tilespmem:$0xE400] =	vst v63  }
0x26: {  	_ =	swait.ge [sflag:s17], $0x1000  }
0x27: {  	[sflag:s17] =	ssyncset.done $0x0  }
0x28: {  	[sflag:s17] =	ssyncadd.s32 $0xFFFFF000  }
0x29: {  	_ =	swait.ge [sflag:s17], $0x1000  }
0x2a: {  	[sflag:s17] =	ssyncset.done $0x0  }
0x2b: {  	[sflag:s17] =	ssyncadd.s32 $0xFFFFF000  }
0x2c: {  	_ =	swait.ge [sflag:s17], $0x1000  }
0x2d: {  	[sflag:s17] =	ssyncset.done $0x0  }
0x2e: {  	[sflag:s17] =	ssyncadd.s32 $0xFFFFF000  }
0x2f: {  	_ =	swait.ge [sflag:s17], $0x1000  }
0x30: {  	s25 =	rddreg [dreg:$0x3];
	[sflag:s17] =	ssyncset.done $0x0  }
0x31: {  	[sflag:s17] =	ssyncadd.s32 $0xFFFFF000;
	s23 =	sadd.s32 $0x0, s25  }
0x32: {  	[hbm4b:s23+s18] =	stream.strided.scatter [tilespmem:s9], [sflag:$0x3], $0x1000, s8, s18, $0x38;
	[tilespmem:$0xE400] =	vst v63  }
0x33: {  	s26 =	sadd.s32 $0x4, s23  }
0x34: {  	[hbm4b:s26+s18] =	stream.strided.scatter [tilespmem:s10], [sflag:$0x3], $0x1000, s8, s18, $0x38;
	[tilespmem:$0xE400] =	vst v63  }
0x35: {  	s28 =	sadd.s32 $0x8, s23  }
0x36: {  	[hbm4b:s28+s18] =	stream.strided.scatter [tilespmem:s11], [sflag:$0x3], $0x1000, s8, s18, $0x38;
	[tilespmem:$0xE400] =	vst v63  }
0x37: {  	s23 =	sadd.s32 $0xC, s23  }
0x38: {  	[hbm4b:s23+s18] =	stream.strided.scatter [tilespmem:s12], [sflag:$0x3], $0x1000, s8, s18, $0x38;
	[tilespmem:$0xE400] =	vst v63  }
0x39: {  	_ =	swait.ge [sflag:s19], $0x1000  }
0x3a: {  	[sflag:s19] =	ssyncset.done $0x0  }
0x3b: {  	[sflag:s19] =	ssyncadd.s32 $0xFFFFF000  }
0x3c: {  	_ =	swait.ge [sflag:s19], $0x1000  }
0x3d: {  	[sflag:s19] =	ssyncset.done $0x0  }
0x3e: {  	[sflag:s19] =	ssyncadd.s32 $0xFFFFF000  }
0x3f: {  	_ =	swait.ge [sflag:s19], $0x1000  }
0x40: {  	[sflag:s19] =	ssyncset.done $0x0  }
0x41: {  	[sflag:s19] =	ssyncadd.s32 $0xFFFFF000  }
0x42: {  	_ =	swait.ge [sflag:s19], $0x1000  }
0x43: {  	s29 =	rddreg [dreg:$0x4];
	[sflag:s19] =	ssyncset.done $0x0  }
0x44: {  	[sflag:s19] =	ssyncadd.s32 $0xFFFFF000;
	s23 =	sadd.s32 $0x0, s29  }
0x45: {  	[hbm4b:s23+s18] =	stream.strided.scatter [tilespmem:s13], [sflag:$0x4], $0x1000, s8, s18, $0x38;
	[tilespmem:$0xE400] =	vst v63  }
0x46: {  	s30 =	sadd.s32 $0x4, s23  }
0x47: {  	[hbm4b:s30+s18] =	stream.strided.scatter [tilespmem:s14], [sflag:$0x4], $0x1000, s8, s18, $0x38;
	[tilespmem:$0xE400] =	vst v63  }
0x48: {  	s31 =	sadd.s32 $0x8, s23  }
0x49: {  	[hbm4b:s31+s18] =	stream.strided.scatter [tilespmem:s15], [sflag:$0x4], $0x1000, s8, s18, $0x38;
	[tilespmem:$0xE400] =	vst v63  }
0x4a: {  	s23 =	sadd.s32 $0xC, s23  }
0x4b: {  	[hbm4b:s23+s18] =	stream.strided.scatter [tilespmem:s16], [sflag:$0x4], $0x1000, s8, s18, $0x38;
	[tilespmem:$0xE400] =	vst v63  }
0x4c: {  	_ =	swait.ge [sflag:s20], $0x1000  }
0x4d: {  	[sflag:s20] =	ssyncset.done $0x0  }
0x4e: {  	[sflag:s20] =	ssyncadd.s32 $0xFFFFF000  }
0x4f: {  	_ =	swait.ge [sflag:s20], $0x1000  }
0x50: {  	[sflag:s20] =	ssyncset.done $0x0  }
0x51: {  	[sflag:s20] =	ssyncadd.s32 $0xFFFFF000  }
0x52: {  	_ =	swait.ge [sflag:s20], $0x1000  }
0x53: {  	[sflag:s20] =	ssyncset.done $0x0  }
0x54: {  	[sflag:s20] =	ssyncadd.s32 $0xFFFFF000  }
0x55: {  	_ =	swait.ge [sflag:s20], $0x1000  }
0x56: {  	[sflag:s20] =	ssyncset.done $0x0  }
0x57: {  	[sflag:s20] =	ssyncadd.s32 $0xFFFFF000  }
0x58: {  	_ =	swait.ge [sflag:s21], $0x1000  }
0x59: {  	[sflag:s21] =	ssyncset.done $0x0  }
0x5a: {  	[sflag:s21] =	ssyncadd.s32 $0xFFFFF000  }
0x5b: {  	_ =	swait.ge [sflag:s21], $0x1000  }
0x5c: {  	[sflag:s21] =	ssyncset.done $0x0  }
0x5d: {  	[sflag:s21] =	ssyncadd.s32 $0xFFFFF000  }
0x5e: {  	_ =	swait.ge [sflag:s21], $0x1000  }
0x5f: {  	[sflag:s21] =	ssyncset.done $0x0  }
0x60: {  	[sflag:s21] =	ssyncadd.s32 $0xFFFFF000  }
0x61: {  	s24 =	simm.s32 $0x600;
	_ =	swait.ge [sflag:s21], $0x1000  }
0x62: {  	s25 =	simm.s32 $0x40000;
	s23 =	simm.s32 $0x20000;
	[sflag:s21] =	ssyncset.done $0x0  }
.LBB2_2:
0x63: {  	s26 =	sadd.s32 $0xFFFFFE00, s24;
	[sflag:s21] =	ssyncadd.s32 $0xFFFFF000  }
0x64: {  	[tilespmem:s9], [sflag:$0x1] =	stream.indirect.gather [hbm4b:s3+s8], $0x20, s26, s8, $0xb8;
	[tilespmem:$0xE400] =	vst v63  }
0x65: {  	s28 =	sadd.s32 $0xFFFFFE80, s24  }
0x66: {  	[tilespmem:s10], [sflag:$0x1] =	stream.indirect.gather [hbm4b:s3+s8], $0x20, s28, s8, $0xb8;
	[tilespmem:$0xE400] =	vst v63  }
0x67: {  	s30 =	sadd.s32 $0xFFFFFF00, s24  }
0x68: {  	[tilespmem:s11], [sflag:$0x1] =	stream.indirect.gather [hbm4b:s3+s8], $0x20, s30, s8, $0xb8;
	[tilespmem:$0xE400] =	vst v63  }
0x69: {  	s31 =	sadd.s32 $0xFFFFFF80, s24  }
0x6a: {  	[tilespmem:s12], [sflag:$0x1] =	stream.indirect.gather [hbm4b:s3+s8], $0x20, s31, s8, $0xb8;
	[tilespmem:$0xE400] =	vst v63  }
0x6b: {  	_ = 	snop  }
0x6c: {  	[tilespmem:s13], [sflag:$0x2] =	stream.indirect.gather [hbm4b:s3+s8], $0x20, s24, s8, $0xb8;
	[tilespmem:$0xE400] =	vst v63  }
0x6d: {  	s29 =	sadd.s32 $0x80, s24  }
0x6e: {  	[tilespmem:s14], [sflag:$0x2] =	stream.indirect.gather [hbm4b:s3+s8], $0x20, s29, s8, $0xb8;
	[tilespmem:$0xE400] =	vst v63  }
0x6f: {  	s30 =	sadd.s32 $0x100, s24  }
0x70: {  	[tilespmem:s15], [sflag:$0x2] =	stream.indirect.gather [hbm4b:s3+s8], $0x20, s30, s8, $0xb8;
	[tilespmem:$0xE400] =	vst v63  }
0x71: {  	s31 =	sadd.s32 $0x180, s24  }
0x72: {  	[tilespmem:s16], [sflag:$0x2] =	stream.indirect.gather [hbm4b:s3+s8], $0x20, s31, s8, $0xb8;
	[tilespmem:$0xE400] =	vst v63  }
0x73: {  	_ =	swait.ge [sflag:s17], $0x1000  }
0x74: {  	[sflag:s17] =	ssyncset.done $0x0  }
0x75: {  	[sflag:s17] =	ssyncadd.s32 $0xFFFFF000  }
0x76: {  	_ =	swait.ge [sflag:s17], $0x1000  }
0x77: {  	[sflag:s17] =	ssyncset.done $0x0  }
0x78: {  	[sflag:s17] =	ssyncadd.s32 $0xFFFFF000  }
0x79: {  	_ =	swait.ge [sflag:s17], $0x1000  }
0x7a: {  	[sflag:s17] =	ssyncset.done $0x0  }
0x7b: {  	[sflag:s17] =	ssyncadd.s32 $0xFFFFF000  }
0x7c: {  	_ =	swait.ge [sflag:s17], $0x1000  }
0x7d: {  	s29 =	rddreg [dreg:$0x3];
	[sflag:s17] =	ssyncset.done $0x0  }
0x7e: {  	[sflag:s17] =	ssyncadd.s32 $0xFFFFF000;
	s28 =	sadd.s32 s23, s29  }
0x7f: {  	[hbm4b:s28+s18] =	stream.strided.scatter [tilespmem:s9], [sflag:$0x3], $0x1000, s8, s18, $0x38;
	[tilespmem:$0xE400] =	vst v63  }
0x80: {  	s29 =	sadd.s32 $0x4, s28  }
0x81: {  	[hbm4b:s29+s18] =	stream.strided.scatter [tilespmem:s10], [sflag:$0x3], $0x1000, s8, s18, $0x38;
	[tilespmem:$0xE400] =	vst v63  }
0x82: {  	s30 =	sadd.s32 $0x8, s28  }
0x83: {  	[hbm4b:s30+s18] =	stream.strided.scatter [tilespmem:s11], [sflag:$0x3], $0x1000, s8, s18, $0x38;
	[tilespmem:$0xE400] =	vst v63  }
0x84: {  	s28 =	sadd.s32 $0xC, s28  }
0x85: {  	[hbm4b:s28+s18] =	stream.strided.scatter [tilespmem:s12], [sflag:$0x3], $0x1000, s8, s18, $0x38;
	[tilespmem:$0xE400] =	vst v63  }
0x86: {  	_ =	swait.ge [sflag:s19], $0x1000  }
0x87: {  	[sflag:s19] =	ssyncset.done $0x0  }
0x88: {  	[sflag:s19] =	ssyncadd.s32 $0xFFFFF000  }
0x89: {  	_ =	swait.ge [sflag:s19], $0x1000  }
0x8a: {  	[sflag:s19] =	ssyncset.done $0x0  }
0x8b: {  	[sflag:s19] =	ssyncadd.s32 $0xFFFFF000  }
0x8c: {  	_ =	swait.ge [sflag:s19], $0x1000  }
0x8d: {  	[sflag:s19] =	ssyncset.done $0x0  }
0x8e: {  	[sflag:s19] =	ssyncadd.s32 $0xFFFFF000  }
0x8f: {  	_ =	swait.ge [sflag:s19], $0x1000  }
0x90: {  	s31 =	rddreg [dreg:$0x4];
	[sflag:s19] =	ssyncset.done $0x0  }
0x91: {  	[sflag:s19] =	ssyncadd.s32 $0xFFFFF000;
	s28 =	sadd.s32 s23, s31  }
0x92: {  	[hbm4b:s28+s18] =	stream.strided.scatter [tilespmem:s13], [sflag:$0x4], $0x1000, s8, s18, $0x38;
	[tilespmem:$0xE400] =	vst v63  }
0x93: {  	s29 =	sadd.s32 $0x4, s28  }
0x94: {  	[hbm4b:s29+s18] =	stream.strided.scatter [tilespmem:s14], [sflag:$0x4], $0x1000, s8, s18, $0x38;
	[tilespmem:$0xE400] =	vst v63  }
0x95: {  	s30 =	sadd.s32 $0x8, s28  }
0x96: {  	[hbm4b:s30+s18] =	stream.strided.scatter [tilespmem:s15], [sflag:$0x4], $0x1000, s8, s18, $0x38;
	[tilespmem:$0xE400] =	vst v63  }
0x97: {  	s31 =	sadd.s32 $0xC, s28  }
0x98: {  	[hbm4b:s31+s18] =	stream.strided.scatter [tilespmem:s16], [sflag:$0x4], $0x1000, s8, s18, $0x38;
	[tilespmem:$0xE400] =	vst v63  }
0x99: {  	_ =	swait.ge [sflag:s20], $0x1000  }
0x9a: {  	[sflag:s20] =	ssyncset.done $0x0  }
0x9b: {  	[sflag:s20] =	ssyncadd.s32 $0xFFFFF000  }
0x9c: {  	_ =	swait.ge [sflag:s20], $0x1000  }
0x9d: {  	[sflag:s20] =	ssyncset.done $0x0  }
0x9e: {  	[sflag:s20] =	ssyncadd.s32 $0xFFFFF000  }
0x9f: {  	_ =	swait.ge [sflag:s20], $0x1000  }
0xa0: {  	[sflag:s20] =	ssyncset.done $0x0  }
0xa1: {  	[sflag:s20] =	ssyncadd.s32 $0xFFFFF000  }
0xa2: {  	_ =	swait.ge [sflag:s20], $0x1000  }
0xa3: {  	[sflag:s20] =	ssyncset.done $0x0  }
0xa4: {  	[sflag:s20] =	ssyncadd.s32 $0xFFFFF000  }
0xa5: {  	_ =	swait.ge [sflag:s21], $0x1000  }
0xa6: {  	[sflag:s21] =	ssyncset.done $0x0  }
0xa7: {  	[sflag:s21] =	ssyncadd.s32 $0xFFFFF000  }
0xa8: {  	_ =	swait.ge [sflag:s21], $0x1000  }
0xa9: {  	[sflag:s21] =	ssyncset.done $0x0  }
0xaa: {  	p0 =	sne.s32 s25, $0x300000;
	[sflag:s21] =	ssyncadd.s32 $0xFFFFF000  }
.Ltmp0:
0xab: {  	_ =	swait.ge [sflag:s21], $0x1000;
	(pc) =	sbr.rel @p0 .LBB2_2-.Ltmp0, $4  }
0xac: {  	[sflag:s21] =	ssyncset.done $0x0  }
0xad: {  	[sflag:s21] =	ssyncadd.s32 $0xFFFFF000  }
0xae: {  	s26 =	smov.u32 s25;
	s25 =	sadd.s32 $0x20000, s25;
	_ =	swait.ge [sflag:s21], $0x1000  }
0xaf: {  	s24 =	sadd.s32 $0x400, s24;
	s23 =	smov.u32 s26;
	[sflag:s21] =	ssyncset.done $0x0  }
0xb0: {  	s25 =	sadd.s32 $0xFFFFFE00, s24;
	[sflag:s21] =	ssyncadd.s32 $0xFFFFF000  }
0xb1: {  	[tilespmem:s9], [sflag:$0x1] =	stream.indirect.gather [hbm4b:s3+s8], $0x20, s25, s8, $0xb8;
	[tilespmem:$0xE400] =	vst v63  }
0xb2: {  	s31 =	sadd.s32 $0xFFFFFE80, s24  }
0xb3: {  	[tilespmem:s10], [sflag:$0x1] =	stream.indirect.gather [hbm4b:s3+s8], $0x20, s31, s8, $0xb8;
	[tilespmem:$0xE400] =	vst v63  }
0xb4: {  	s26 =	sadd.s32 $0xFFFFFF00, s24  }
0xb5: {  	[tilespmem:s11], [sflag:$0x1] =	stream.indirect.gather [hbm4b:s3+s8], $0x20, s26, s8, $0xb8;
	[tilespmem:$0xE400] =	vst v63  }
0xb6: {  	s28 =	sadd.s32 $0xFFFFFF80, s24  }
0xb7: {  	[tilespmem:s12], [sflag:$0x1] =	stream.indirect.gather [hbm4b:s3+s8], $0x20, s28, s8, $0xb8;
	[tilespmem:$0xE400] =	vst v63  }
0xb8: {  	_ = 	snop  }
0xb9: {  	[tilespmem:s13], [sflag:$0x2] =	stream.indirect.gather [hbm4b:s3+s8], $0x20, s24, s8, $0xb8;
	[tilespmem:$0xE400] =	vst v63  }
0xba: {  	s29 =	sadd.s32 $0x80, s24  }
0xbb: {  	[tilespmem:s14], [sflag:$0x2] =	stream.indirect.gather [hbm4b:s3+s8], $0x20, s29, s8, $0xb8;
	[tilespmem:$0xE400] =	vst v63  }
0xbc: {  	s30 =	sadd.s32 $0x100, s24  }
0xbd: {  	[tilespmem:s15], [sflag:$0x2] =	stream.indirect.gather [hbm4b:s3+s8], $0x20, s30, s8, $0xb8;
	[tilespmem:$0xE400] =	vst v63  }
0xbe: {  	s31 =	sadd.s32 $0x180, s24  }
0xbf: {  	[tilespmem:s16], [sflag:$0x2] =	stream.indirect.gather [hbm4b:s3+s8], $0x20, s31, s8, $0xb8;
	[tilespmem:$0xE400] =	vst v63  }
0xc0: {  	_ =	swait.ge [sflag:s17], $0x1000  }
0xc1: {  	[sflag:s17] =	ssyncset.done $0x0  }
0xc2: {  	[sflag:s17] =	ssyncadd.s32 $0xFFFFF000  }
0xc3: {  	_ =	swait.ge [sflag:s17], $0x1000  }
0xc4: {  	[sflag:s17] =	ssyncset.done $0x0  }
0xc5: {  	[sflag:s17] =	ssyncadd.s32 $0xFFFFF000  }
0xc6: {  	_ =	swait.ge [sflag:s17], $0x1000  }
0xc7: {  	[sflag:s17] =	ssyncset.done $0x0  }
0xc8: {  	[sflag:s17] =	ssyncadd.s32 $0xFFFFF000  }
0xc9: {  	_ =	swait.ge [sflag:s17], $0x1000  }
0xca: {  	s25 =	rddreg [dreg:$0x3];
	[sflag:s17] =	ssyncset.done $0x0  }
0xcb: {  	[sflag:s17] =	ssyncadd.s32 $0xFFFFF000;
	s24 =	sadd.s32 s23, s25  }
0xcc: {  	[hbm4b:s24+s18] =	stream.strided.scatter [tilespmem:s9], [sflag:$0x3], $0x1000, s8, s18, $0x38;
	[tilespmem:$0xE400] =	vst v63  }
0xcd: {  	s26 =	sadd.s32 $0x4, s24  }
0xce: {  	[hbm4b:s26+s18] =	stream.strided.scatter [tilespmem:s10], [sflag:$0x3], $0x1000, s8, s18, $0x38;
	[tilespmem:$0xE400] =	vst v63  }
0xcf: {  	s28 =	sadd.s32 $0x8, s24  }
0xd0: {  	[hbm4b:s28+s18] =	stream.strided.scatter [tilespmem:s11], [sflag:$0x3], $0x1000, s8, s18, $0x38;
	[tilespmem:$0xE400] =	vst v63  }
0xd1: {  	s24 =	sadd.s32 $0xC, s24  }
0xd2: {  	[hbm4b:s24+s18] =	stream.strided.scatter [tilespmem:s12], [sflag:$0x3], $0x1000, s8, s18, $0x38;
	[tilespmem:$0xE400] =	vst v63  }
0xd3: {  	_ =	swait.ge [sflag:s19], $0x1000  }
0xd4: {  	[sflag:s19] =	ssyncset.done $0x0  }
0xd5: {  	[sflag:s19] =	ssyncadd.s32 $0xFFFFF000  }
0xd6: {  	_ =	swait.ge [sflag:s19], $0x1000  }
0xd7: {  	[sflag:s19] =	ssyncset.done $0x0  }
0xd8: {  	[sflag:s19] =	ssyncadd.s32 $0xFFFFF000  }
0xd9: {  	_ =	swait.ge [sflag:s19], $0x1000  }
0xda: {  	[sflag:s19] =	ssyncset.done $0x0  }
0xdb: {  	[sflag:s19] =	ssyncadd.s32 $0xFFFFF000  }
0xdc: {  	_ =	swait.ge [sflag:s19], $0x1000  }
0xdd: {  	s29 =	rddreg [dreg:$0x4];
	[sflag:s19] =	ssyncset.done $0x0  }
0xde: {  	[sflag:s19] =	ssyncadd.s32 $0xFFFFF000;
	s30 =	sadd.s32 s23, s29  }
0xdf: {  	[hbm4b:s30+s18] =	stream.strided.scatter [tilespmem:s13], [sflag:$0x4], $0x1000, s8, s18, $0x38;
	[tilespmem:$0xE400] =	vst v63  }
0xe0: {  	s24 =	sadd.s32 $0x4, s30  }
0xe1: {  	[hbm4b:s24+s18] =	stream.strided.scatter [tilespmem:s14], [sflag:$0x4], $0x1000, s8, s18, $0x38;
	[tilespmem:$0xE400] =	vst v63  }
0xe2: {  	s31 =	sadd.s32 $0x8, s30  }
0xe3: {  	[hbm4b:s31+s18] =	stream.strided.scatter [tilespmem:s15], [sflag:$0x4], $0x1000, s8, s18, $0x38;
	[tilespmem:$0xE400] =	vst v63  }
0xe4: {  	s23 =	sadd.s32 $0xC, s30  }
0xe5: {  	[hbm4b:s23+s18] =	stream.strided.scatter [tilespmem:s16], [sflag:$0x4], $0x1000, s8, s18, $0x38;
	[tilespmem:$0xE400] =	vst v63  }
0xe6: {  	_ =	swait.ge [sflag:s20], $0x1000  }
0xe7: {  	[sflag:s20] =	ssyncset.done $0x0  }
0xe8: {  	[sflag:s20] =	ssyncadd.s32 $0xFFFFF000  }
0xe9: {  	_ =	swait.ge [sflag:s20], $0x1000  }
0xea: {  	[sflag:s20] =	ssyncset.done $0x0  }
0xeb: {  	[sflag:s20] =	ssyncadd.s32 $0xFFFFF000  }
0xec: {  	_ =	swait.ge [sflag:s20], $0x1000  }
0xed: {  	[sflag:s20] =	ssyncset.done $0x0  }
0xee: {  	[sflag:s20] =	ssyncadd.s32 $0xFFFFF000  }
0xef: {  	_ =	swait.ge [sflag:s20], $0x1000  }
0xf0: {  	[sflag:s20] =	ssyncset.done $0x0  }
0xf1: {  	[sflag:s20] =	ssyncadd.s32 $0xFFFFF000  }
0xf2: {  	_ =	swait.ge [sflag:s21], $0x1000  }
0xf3: {  	[sflag:s21] =	ssyncset.done $0x0  }
0xf4: {  	[sflag:s21] =	ssyncadd.s32 $0xFFFFF000  }
0xf5: {  	_ =	swait.ge [sflag:s21], $0x1000  }
0xf6: {  	[sflag:s21] =	ssyncset.done $0x0  }
0xf7: {  	s22 =	sadd.s32 $0x1, s22;
	[sflag:s21] =	ssyncadd.s32 $0xFFFFF000  }
0xf8: {  	p0 =	sne.s32 s22, s5;
	_ =	swait.ge [sflag:s21], $0x1000  }
.Ltmp1:
0xf9: {  	[sflag:s21] =	ssyncset.done $0x0;
	(pc) =	sbr.rel @p0 .LBB2_1-.Ltmp1, $4  }
0xfa: {  	[sflag:s21] =	ssyncadd.s32 $0xFFFFF000  }
0xfb: {  	_ =	swait.ge [sflag:s21], $0x1000  }
0xfc: {  	[sflag:s21] =	ssyncset.done $0x0  }
0xfd: {  	[sflag:s21] =	ssyncadd.s32 $0xFFFFF000  }
0xfe: {  	_ =	sfence.sel $0x180000  }
0xff: {  	[bflag:$0x0] =	sbarrier.arrive $0xFFFF  }
0x100: {  	p0 =	sne.s32 s2, $0x0;
	_ =	strace $0x90000047  }
0x101: {  	s0 =	sadd.s32 @!p0 $0x100000, s0;
	[bflag:$0x2] =	sbarrier.arrive $0xFFFF  }
0x102: {  	[sflag:s0] =	ssyncadd.tile.s32 @!p0 $0x1;
	_ =	shalt  }
.Lfunc_end2:
_tile_overlayer_lowered:
.L_overlay_start_2:
0x103: {  	(tag) =	ssettag $0x2  }
0x104: {  	s0 =	rddreg [dreg:$0x0];
	s2 =	stileid.u32  }
0x105: {  	s1 =	rddreg [dreg:$0x1];
	p0 =	sne.s32 s2, $0x0  }
0x106: {  	s3 =	rddreg [dreg:$0x2];
	[bflag:$0x3] =	sbarrier.arrive $0xFFFF;
	s2 =	simm.s32 @!p0 $0x1C05  }
0x107: {  	[timem:s3], [sflag:s2] =	dma.local @!p0 [hbm:s0], s1  }
0x108: {  	s0 =	simm.s32 @!p0 $0x5  }
0x109: {  	_ =	swait.ge @!p0 [sflag:s0], s1  }
0x10a: {  	s1 =	ssub.s32 @!p0 $0x0, s1;
	[sflag:s0] =	ssyncset.done @!p0 $0x0  }
0x10b: {  	[sflag:s0] =	ssyncadd.s32 @!p0 s1  }
0x10c: {  	[bflag:$0x3] =	sbarrier.arrive $0xFFFF  }
0x10d: {  	_ =	shalt  }

</sc_bundles>
